<compile_context>
chip_gen: v7x
topology: tpu7x:2x2x1
jax: 0.10.2.dev20260603
libtpu: 0.0.44.dev20260713+nightly
codegen_flags: <defaults>
</compile_context>

<pallas_src>
import functools

import jax
import jax.numpy as jnp
from jax import lax
from jax.experimental import pallas as pl
from jax.experimental.pallas import tpu as pltpu
from jax.experimental.pallas import tpu_sc as plsc

N = 16384
B = 1024
NNZ = 268435

NC = 2
NS = 16
BC = 64
NBC = B // BC
G = 128
NG = -(-NNZ // (NS * G))
TILE_NNZ = NG * G
NNZ_PAD = NS * TILE_NNZ


def _sc_body(xTr, colg, rowg, valsg, out,
             colb, rowb, valb, gbuf, zbuf, slab, sem_g, sem_s):
  c = lax.axis_index("c")
  s = lax.axis_index("s")

  @pl.loop(0, G)
  def _(r):
    for q in range(BC // 16):
      zbuf[r, pl.ds(q * 16, 16)] = jnp.zeros((16,), jnp.float32)

  base = s * (N // NS)

  @pl.loop(0, NBC // NC)
  def _(p):
    bc = c * (NBC // NC) + p

    for i in range(N // NS // G):
      pltpu.sync_copy(zbuf, slab.at[pl.ds(base + i * G, G)])
    plsc.subcore_barrier()

    @pl.loop(0, NG)
    def _(g):
      pltpu.sync_copy(colg.at[s, g], colb.at[0])
      pltpu.sync_copy(rowg.at[s, g], rowb.at[0])
      pltpu.sync_copy(valsg.at[s, g], valb.at[0])

      pltpu.async_copy(xTr.at[bc].at[colb.at[0]], gbuf, sem_g).wait()

      @pl.loop(0, G // 16)
      def _(t):
        vv = valb[0, pl.ds(t * 16, 16)]
        for l in range(16):
          v = vv[l]
          j = t * 16 + l
          for q in range(BC // 16):
            sl = pl.ds(q * 16, 16)
            gbuf[j, sl] = gbuf[j, sl] * v

      pltpu.async_copy(gbuf, slab.at[rowb.at[0]], sem_s, add=True).wait()

    plsc.subcore_barrier()
    pltpu.sync_copy(slab.at[pl.ds(base, N // NS)],
                    out.at[bc, pl.ds(base, N // NS)])
    plsc.subcore_barrier()


@jax.jit
def kernel(x_affine, W_vals, W_row, W_col):
  xTr = x_affine.T.reshape(N, NBC, BC).transpose(1, 0, 2)

  pad = NNZ_PAD - NNZ
  colg = jnp.pad(W_col.astype(jnp.int32), (0, pad)).reshape(NS, NG, G)
  rowg = jnp.pad(W_row.astype(jnp.int32), (0, pad)).reshape(NS, NG, G)
  valsg = jnp.pad(W_vals, (0, pad)).reshape(NS, NG, G)

  mesh = plsc.VectorSubcoreMesh(core_axis_name="c", subcore_axis_name="s")
  sc = pl.kernel(
      _sc_body,
      out_type=jax.ShapeDtypeStruct((NBC, N, BC), jnp.float32),
      mesh=mesh,
      compiler_params=pltpu.CompilerParams(use_tc_tiling_on_sc=False),
      scratch_types=[
          pltpu.VMEM((1, G), jnp.int32),
          pltpu.VMEM((1, G), jnp.int32),
          pltpu.VMEM((1, G), jnp.float32),
          pltpu.VMEM((G, BC), jnp.float32),
          pltpu.VMEM((G, BC), jnp.float32),
          pltpu.VMEM_SHARED((N, BC), jnp.float32),
          pltpu.SemaphoreType.DMA,
          pltpu.SemaphoreType.DMA,
      ],
  )
  outr = sc(xTr, colg, rowg, valsg)
  return outr.transpose(0, 2, 1).reshape(B, N)

# --- scband reference (transcript-rebuilt; emitter-appended) ---
"""Pipeline reference for scband-keyed-layer-1357209665922 (READ-ONLY COPY).

The authoritative reference and input builder live on the scoring server;
editing this copy changes nothing except your own understanding.
"""

import jax, jax.numpy as jnp
import numpy as np

N = 16384
B = 1024
NNZ = 268435

def setup_inputs(seed: int = 0) -> dict:
    key = jax.random.key(seed)
    k1, k2, k3, k4 = jax.random.split(key, 4)
    x_affine = jax.random.normal(k1, (B, N), dtype=jnp.float32)
    W_row = jax.random.randint(k2, (NNZ,), 0, N)
    W_col = jax.random.randint(k3, (NNZ,), 0, N)
    W_vals = jax.random.normal(k4, (NNZ,), dtype=jnp.float32) * 0.05
    return {"x_affine": x_affine, "W_vals": W_vals, "W_row": W_row, "W_col": W_col}

def reference(x_affine, W_vals, W_row, W_col):
    # KeyedLayer.forward: self.W.dot(x_affine.t()).t()
    # W is a sparse [N, N] matrix stored as COO (W_row, W_col, W_vals).
    # y^T[i, b] = sum_{k: row==i} vals[k] * x^T[col[k], b]
    xT = x_affine.T                       # [N, B]
    gathered = jnp.take(xT, W_col, axis=0)  # [NNZ, B] gather rows of x^T at column indices
    contrib = W_vals[:, None] * gathered    # [NNZ, B]
    out_T = jax.ops.segment_sum(contrib, W_row, num_segments=N)  # [N, B] scatter-add by row
    return out_T.T                        # [B, N]

if __name__ == "__main__":
    import jax
    _d = setup_inputs()
    print(jax.jit(kernel)(*tuple(_d.values())))

</pallas_src>

<mosaic_0001>
#map = affine_map<(d0, d1) -> (0, 0, 0)>
module attributes {stable_mosaic.version = 14 : i64} {
  func.func @_sc_body(%arg0: i32, %arg1: i32, %arg2: memref<16x16384x64xf32, #tpu.memory_space<hbm>>, %arg3: memref<16x132x128xi32, #tpu.memory_space<hbm>>, %arg4: memref<16x132x128xi32, #tpu.memory_space<hbm>>, %arg5: memref<16x132x128xf32, #tpu.memory_space<hbm>>, %arg6: memref<16x16384x64xf32, #tpu.memory_space<hbm>>, %arg7: memref<1x128xi32, #tpu.memory_space<vmem>>, %arg8: memref<1x128xi32, #tpu.memory_space<vmem>>, %arg9: memref<1x128xf32, #tpu.memory_space<vmem>>, %arg10: memref<128x64xf32, #tpu.memory_space<vmem>>, %arg11: memref<128x64xf32, #tpu.memory_space<vmem>>, %arg12: memref<16384x64xf32, #tpu.memory_space<vmem_shared>>, %arg13: memref<!tpu.dma_semaphore, #tpu.memory_space<semaphore_mem>>, %arg14: memref<!tpu.dma_semaphore, #tpu.memory_space<semaphore_mem>>) attributes {dimension_semantics = [#tpu.dimension_semantics<core_parallel>, #tpu.dimension_semantics<subcore_parallel>], iteration_bounds = array<i64: 2, 16>, scalar_prefetch = 0 : i64, scratch_operands = 8 : i64, tpu.core_type = #tpu.core_type<sc_vector_subcore>, window_params = [{transform_indices = #map}, {transform_indices = #map}, {transform_indices = #map}, {transform_indices = #map}, {transform_indices = #map}]} {
    %scan3A = arith.constant 0 : i32
    %scan3A_0 = arith.constant 128 : i32
    %scan3A_1 = arith.addi %scan3A, %scan3A_0 : i32
    %scan3A_2 = arith.constant 1 : i32
    scf.for %scan3A_10 = %scan3A to %scan3A_1 step %scan3A_2  : i32 {
      %mul3A_11 = arith.constant 1 : i32
      %mul3A_12 = arith.muli %scan3A_10, %mul3A_11 : i32
      %add3A = arith.constant 0 : i32
      %add3A_13 = arith.addi %add3A, %mul3A_12 : i32
      %broadcast_in_dim3A = arith.constant 0.000000e+00 : f32
      %broadcast_in_dim3A_14 = vector.broadcast %broadcast_in_dim3A : f32 to vector<16xf32>
      %swap3A = arith.index_cast %add3A_13 : i32 to index
      %swap3A_15 = arith.constant 0 : index
      %swap3A_16 = tpu.vector_load %arg11[%swap3A, %swap3A_15] {strides = array<i32>} : memref<128x64xf32, #tpu.memory_space<vmem>>, vector<1x16xf32>,
      %swap3A_17 = vector.shape_cast %swap3A_16 : vector<1x16xf32> to vector<16xf32>
      %swap3A_18 = vector.shape_cast %broadcast_in_dim3A_14 : vector<16xf32> to vector<1x16xf32>
      tpu.vector_store %arg11[%swap3A, %swap3A_15], %swap3A_18 {strides = array<i32>} : memref<128x64xf32, #tpu.memory_space<vmem>>, vector<1x16xf32>,
      %broadcast_in_dim3A_19 = arith.constant 0.000000e+00 : f32
      %broadcast_in_dim3A_20 = vector.broadcast %broadcast_in_dim3A_19 : f32 to vector<16xf32>
      %swap3A_21 = arith.index_cast %add3A_13 : i32 to index
      %swap3A_22 = arith.constant 16 : index
      %swap3A_23 = tpu.vector_load %arg11[%swap3A_21, %swap3A_22] {strides = array<i32>} : memref<128x64xf32, #tpu.memory_space<vmem>>, vector<1x16xf32>,
      %swap3A_24 = vector.shape_cast %swap3A_23 : vector<1x16xf32> to vector<16xf32>
      %swap3A_25 = vector.shape_cast %broadcast_in_dim3A_20 : vector<16xf32> to vector<1x16xf32>
      tpu.vector_store %arg11[%swap3A_21, %swap3A_22], %swap3A_25 {strides = array<i32>} : memref<128x64xf32, #tpu.memory_space<vmem>>, vector<1x16xf32>,
      %broadcast_in_dim3A_26 = arith.constant 0.000000e+00 : f32
      %broadcast_in_dim3A_27 = vector.broadcast %broadcast_in_dim3A_26 : f32 to vector<16xf32>
      %swap3A_28 = arith.index_cast %add3A_13 : i32 to index
      %swap3A_29 = arith.constant 32 : index
      %swap3A_30 = tpu.vector_load %arg11[%swap3A_28, %swap3A_29] {strides = array<i32>} : memref<128x64xf32, #tpu.memory_space<vmem>>, vector<1x16xf32>,
      %swap3A_31 = vector.shape_cast %swap3A_30 : vector<1x16xf32> to vector<16xf32>
      %swap3A_32 = vector.shape_cast %broadcast_in_dim3A_27 : vector<16xf32> to vector<1x16xf32>
      tpu.vector_store %arg11[%swap3A_28, %swap3A_29], %swap3A_32 {strides = array<i32>} : memref<128x64xf32, #tpu.memory_space<vmem>>, vector<1x16xf32>,
      %broadcast_in_dim3A_33 = arith.constant 0.000000e+00 : f32
      %broadcast_in_dim3A_34 = vector.broadcast %broadcast_in_dim3A_33 : f32 to vector<16xf32>
      %swap3A_35 = arith.index_cast %add3A_13 : i32 to index
      %swap3A_36 = arith.constant 48 : index
      %swap3A_37 = tpu.vector_load %arg11[%swap3A_35, %swap3A_36] {strides = array<i32>} : memref<128x64xf32, #tpu.memory_space<vmem>>, vector<1x16xf32>,
      %swap3A_38 = vector.shape_cast %swap3A_37 : vector<1x16xf32> to vector<16xf32>
      %swap3A_39 = vector.shape_cast %broadcast_in_dim3A_34 : vector<16xf32> to vector<1x16xf32>
      tpu.vector_store %arg11[%swap3A_35, %swap3A_36], %swap3A_39 {strides = array<i32>} : memref<128x64xf32, #tpu.memory_space<vmem>>, vector<1x16xf32>,
    }
    %scan3A_3 = arith.constant 128 : i32
    %mul3A = arith.constant 1024 : i32
    %mul3A_4 = arith.muli %arg1, %mul3A : i32
    %scan3A_5 = arith.constant 0 : i32
    %scan3A_6 = arith.constant 8 : i32
    %scan3A_7 = arith.addi %scan3A_5, %scan3A_6 : i32
    %scan3A_8 = arith.constant 1 : i32
    scf.for %scan3A_10 = %scan3A_5 to %scan3A_7 step %scan3A_8  : i32 {
      %mul3A_11 = arith.constant 1 : i32
      %mul3A_12 = arith.muli %scan3A_10, %mul3A_11 : i32
      %add3A = arith.constant 0 : i32
      %add3A_13 = arith.addi %add3A, %mul3A_12 : i32
      %mul3A_14 = arith.constant 8 : i32
      %mul3A_15 = arith.muli %arg0, %mul3A_14 : i32
      %add3A_16 = arith.addi %mul3A_15, %add3A_13 : i32
      %add3A_17 = arith.constant 0 : i32
      %add3A_18 = arith.addi %mul3A_4, %add3A_17 : i32
      "tpu.region"() ({
        %run_scoped3A = tpu.sem_alloc : memref<!tpu.dma_semaphore, #tpu.memory_space<semaphore_mem>>
        %dma_start3A = arith.constant 0 : i32
        %dma_start3A_40 = tpu.memref_slice %arg12[%add3A_18, %dma_start3A] : memref<16384x64xf32, #tpu.memory_space<vmem_shared>> -> memref<128x64xf32, #tpu.memory_space<vmem_shared>>
        %dma_start3A_41 = arith.constant 0 : i32
        %dma_start3A_42 = tpu.memref_slice %arg12[%add3A_18, %dma_start3A_41] : memref<16384x64xf32, #tpu.memory_space<vmem_shared>> -> memref<128x64xf32, #tpu.memory_space<vmem_shared>>
        tpu.enqueue_dma source(%arg11 : memref<128x64xf32, #tpu.memory_space<vmem>>) target(%dma_start3A_42 : memref<128x64xf32, #tpu.memory_space<vmem_shared>>) target_semaphore(%run_scoped3A : memref<!tpu.dma_semaphore, #tpu.memory_space<semaphore_mem>>)
        %dma_wait3A = arith.constant 0 : i32
        %dma_wait3A_43 = tpu.memref_slice %arg12[%add3A_18, %dma_wait3A] : memref<16384x64xf32, #tpu.memory_space<vmem_shared>> -> memref<128x64xf32, #tpu.memory_space<vmem_shared>>
        %dma_wait3A_44 = arith.constant 0 : i32
        %dma_wait3A_45 = tpu.memref_slice %arg12[%add3A_18, %dma_wait3A_44] : memref<16384x64xf32, #tpu.memory_space<vmem_shared>> -> memref<128x64xf32, #tpu.memory_space<vmem_shared>>
        tpu.wait_dma2 semaphore(%run_scoped3A : memref<!tpu.dma_semaphore, #tpu.memory_space<semaphore_mem>>) src(%arg11 : memref<128x64xf32, #tpu.memory_space<vmem>>) dst(%dma_wait3A_45 : memref<128x64xf32, #tpu.memory_space<vmem_shared>>)
        tpu.yield
      }) : () -> ()
      %add3A_19 = arith.constant 128 : i32
      %add3A_20 = arith.addi %mul3A_4, %add3A_19 : i32
      "tpu.region"() ({
        %run_scoped3A = tpu.sem_alloc : memref<!tpu.dma_semaphore, #tpu.memory_space<semaphore_mem>>
        %dma_start3A = arith.constant 0 : i32
        %dma_start3A_40 = tpu.memref_slice %arg12[%add3A_20, %dma_start3A] : memref<16384x64xf32, #tpu.memory_space<vmem_shared>> -> memref<128x64xf32, #tpu.memory_space<vmem_shared>>
        %dma_start3A_41 = arith.constant 0 : i32
        %dma_start3A_42 = tpu.memref_slice %arg12[%add3A_20, %dma_start3A_41] : memref<16384x64xf32, #tpu.memory_space<vmem_shared>> -> memref<128x64xf32, #tpu.memory_space<vmem_shared>>
        tpu.enqueue_dma source(%arg11 : memref<128x64xf32, #tpu.memory_space<vmem>>) target(%dma_start3A_42 : memref<128x64xf32, #tpu.memory_space<vmem_shared>>) target_semaphore(%run_scoped3A : memref<!tpu.dma_semaphore, #tpu.memory_space<semaphore_mem>>)
        %dma_wait3A = arith.constant 0 : i32
        %dma_wait3A_43 = tpu.memref_slice %arg12[%add3A_20, %dma_wait3A] : memref<16384x64xf32, #tpu.memory_space<vmem_shared>> -> memref<128x64xf32, #tpu.memory_space<vmem_shared>>
        %dma_wait3A_44 = arith.constant 0 : i32
        %dma_wait3A_45 = tpu.memref_slice %arg12[%add3A_20, %dma_wait3A_44] : memref<16384x64xf32, #tpu.memory_space<vmem_shared>> -> memref<128x64xf32, #tpu.memory_space<vmem_shared>>
        tpu.wait_dma2 semaphore(%run_scoped3A : memref<!tpu.dma_semaphore, #tpu.memory_space<semaphore_mem>>) src(%arg11 : memref<128x64xf32, #tpu.memory_space<vmem>>) dst(%dma_wait3A_45 : memref<128x64xf32, #tpu.memory_space<vmem_shared>>)
        tpu.yield
      }) : () -> ()
      %add3A_21 = arith.constant 256 : i32
      %add3A_22 = arith.addi %mul3A_4, %add3A_21 : i32
      "tpu.region"() ({
        %run_scoped3A = tpu.sem_alloc : memref<!tpu.dma_semaphore, #tpu.memory_space<semaphore_mem>>
        %dma_start3A = arith.constant 0 : i32
        %dma_start3A_40 = tpu.memref_slice %arg12[%add3A_22, %dma_start3A] : memref<16384x64xf32, #tpu.memory_space<vmem_shared>> -> memref<128x64xf32, #tpu.memory_space<vmem_shared>>
        %dma_start3A_41 = arith.constant 0 : i32
        %dma_start3A_42 = tpu.memref_slice %arg12[%add3A_22, %dma_start3A_41] : memref<16384x64xf32, #tpu.memory_space<vmem_shared>> -> memref<128x64xf32, #tpu.memory_space<vmem_shared>>
        tpu.enqueue_dma source(%arg11 : memref<128x64xf32, #tpu.memory_space<vmem>>) target(%dma_start3A_42 : memref<128x64xf32, #tpu.memory_space<vmem_shared>>) target_semaphore(%run_scoped3A : memref<!tpu.dma_semaphore, #tpu.memory_space<semaphore_mem>>)
        %dma_wait3A = arith.constant 0 : i32
        %dma_wait3A_43 = tpu.memref_slice %arg12[%add3A_22, %dma_wait3A] : memref<16384x64xf32, #tpu.memory_space<vmem_shared>> -> memref<128x64xf32, #tpu.memory_space<vmem_shared>>
        %dma_wait3A_44 = arith.constant 0 : i32
        %dma_wait3A_45 = tpu.memref_slice %arg12[%add3A_22, %dma_wait3A_44] : memref<16384x64xf32, #tpu.memory_space<vmem_shared>> -> memref<128x64xf32, #tpu.memory_space<vmem_shared>>
        tpu.wait_dma2 semaphore(%run_scoped3A : memref<!tpu.dma_semaphore, #tpu.memory_space<semaphore_mem>>) src(%arg11 : memref<128x64xf32, #tpu.memory_space<vmem>>) dst(%dma_wait3A_45 : memref<128x64xf32, #tpu.memory_space<vmem_shared>>)
        tpu.yield
      }) : () -> ()
      %add3A_23 = arith.constant 384 : i32
      %add3A_24 = arith.addi %mul3A_4, %add3A_23 : i32
      "tpu.region"() ({
        %run_scoped3A = tpu.sem_alloc : memref<!tpu.dma_semaphore, #tpu.memory_space<semaphore_mem>>
        %dma_start3A = arith.constant 0 : i32
        %dma_start3A_40 = tpu.memref_slice %arg12[%add3A_24, %dma_start3A] : memref<16384x64xf32, #tpu.memory_space<vmem_shared>> -> memref<128x64xf32, #tpu.memory_space<vmem_shared>>
        %dma_start3A_41 = arith.constant 0 : i32
        %dma_start3A_42 = tpu.memref_slice %arg12[%add3A_24, %dma_start3A_41] : memref<16384x64xf32, #tpu.memory_space<vmem_shared>> -> memref<128x64xf32, #tpu.memory_space<vmem_shared>>
        tpu.enqueue_dma source(%arg11 : memref<128x64xf32, #tpu.memory_space<vmem>>) target(%dma_start3A_42 : memref<128x64xf32, #tpu.memory_space<vmem_shared>>) target_semaphore(%run_scoped3A : memref<!tpu.dma_semaphore, #tpu.memory_space<semaphore_mem>>)
        %dma_wait3A = arith.constant 0 : i32
        %dma_wait3A_43 = tpu.memref_slice %arg12[%add3A_24, %dma_wait3A] : memref<16384x64xf32, #tpu.memory_space<vmem_shared>> -> memref<128x64xf32, #tpu.memory_space<vmem_shared>>
        %dma_wait3A_44 = arith.constant 0 : i32
        %dma_wait3A_45 = tpu.memref_slice %arg12[%add3A_24, %dma_wait3A_44] : memref<16384x64xf32, #tpu.memory_space<vmem_shared>> -> memref<128x64xf32, #tpu.memory_space<vmem_shared>>
        tpu.wait_dma2 semaphore(%run_scoped3A : memref<!tpu.dma_semaphore, #tpu.memory_space<semaphore_mem>>) src(%arg11 : memref<128x64xf32, #tpu.memory_space<vmem>>) dst(%dma_wait3A_45 : memref<128x64xf32, #tpu.memory_space<vmem_shared>>)
        tpu.yield
      }) : () -> ()
      %add3A_25 = arith.constant 512 : i32
      %add3A_26 = arith.addi %mul3A_4, %add3A_25 : i32
      "tpu.region"() ({
        %run_scoped3A = tpu.sem_alloc : memref<!tpu.dma_semaphore, #tpu.memory_space<semaphore_mem>>
        %dma_start3A = arith.constant 0 : i32
        %dma_start3A_40 = tpu.memref_slice %arg12[%add3A_26, %dma_start3A] : memref<16384x64xf32, #tpu.memory_space<vmem_shared>> -> memref<128x64xf32, #tpu.memory_space<vmem_shared>>
        %dma_start3A_41 = arith.constant 0 : i32
        %dma_start3A_42 = tpu.memref_slice %arg12[%add3A_26, %dma_start3A_41] : memref<16384x64xf32, #tpu.memory_space<vmem_shared>> -> memref<128x64xf32, #tpu.memory_space<vmem_shared>>
        tpu.enqueue_dma source(%arg11 : memref<128x64xf32, #tpu.memory_space<vmem>>) target(%dma_start3A_42 : memref<128x64xf32, #tpu.memory_space<vmem_shared>>) target_semaphore(%run_scoped3A : memref<!tpu.dma_semaphore, #tpu.memory_space<semaphore_mem>>)
        %dma_wait3A = arith.constant 0 : i32
        %dma_wait3A_43 = tpu.memref_slice %arg12[%add3A_26, %dma_wait3A] : memref<16384x64xf32, #tpu.memory_space<vmem_shared>> -> memref<128x64xf32, #tpu.memory_space<vmem_shared>>
        %dma_wait3A_44 = arith.constant 0 : i32
        %dma_wait3A_45 = tpu.memref_slice %arg12[%add3A_26, %dma_wait3A_44] : memref<16384x64xf32, #tpu.memory_space<vmem_shared>> -> memref<128x64xf32, #tpu.memory_space<vmem_shared>>
        tpu.wait_dma2 semaphore(%run_scoped3A : memref<!tpu.dma_semaphore, #tpu.memory_space<semaphore_mem>>) src(%arg11 : memref<128x64xf32, #tpu.memory_space<vmem>>) dst(%dma_wait3A_45 : memref<128x64xf32, #tpu.memory_space<vmem_shared>>)
        tpu.yield
      }) : () -> ()
      %add3A_27 = arith.constant 640 : i32
      %add3A_28 = arith.addi %mul3A_4, %add3A_27 : i32
      "tpu.region"() ({
        %run_scoped3A = tpu.sem_alloc : memref<!tpu.dma_semaphore, #tpu.memory_space<semaphore_mem>>
        %dma_start3A = arith.constant 0 : i32
        %dma_start3A_40 = tpu.memref_slice %arg12[%add3A_28, %dma_start3A] : memref<16384x64xf32, #tpu.memory_space<vmem_shared>> -> memref<128x64xf32, #tpu.memory_space<vmem_shared>>
        %dma_start3A_41 = arith.constant 0 : i32
        %dma_start3A_42 = tpu.memref_slice %arg12[%add3A_28, %dma_start3A_41] : memref<16384x64xf32, #tpu.memory_space<vmem_shared>> -> memref<128x64xf32, #tpu.memory_space<vmem_shared>>
        tpu.enqueue_dma source(%arg11 : memref<128x64xf32, #tpu.memory_space<vmem>>) target(%dma_start3A_42 : memref<128x64xf32, #tpu.memory_space<vmem_shared>>) target_semaphore(%run_scoped3A : memref<!tpu.dma_semaphore, #tpu.memory_space<semaphore_mem>>)
        %dma_wait3A = arith.constant 0 : i32
        %dma_wait3A_43 = tpu.memref_slice %arg12[%add3A_28, %dma_wait3A] : memref<16384x64xf32, #tpu.memory_space<vmem_shared>> -> memref<128x64xf32, #tpu.memory_space<vmem_shared>>
        %dma_wait3A_44 = arith.constant 0 : i32
        %dma_wait3A_45 = tpu.memref_slice %arg12[%add3A_28, %dma_wait3A_44] : memref<16384x64xf32, #tpu.memory_space<vmem_shared>> -> memref<128x64xf32, #tpu.memory_space<vmem_shared>>
        tpu.wait_dma2 semaphore(%run_scoped3A : memref<!tpu.dma_semaphore, #tpu.memory_space<semaphore_mem>>) src(%arg11 : memref<128x64xf32, #tpu.memory_space<vmem>>) dst(%dma_wait3A_45 : memref<128x64xf32, #tpu.memory_space<vmem_shared>>)
        tpu.yield
      }) : () -> ()
      %add3A_29 = arith.constant 768 : i32
      %add3A_30 = arith.addi %mul3A_4, %add3A_29 : i32
      "tpu.region"() ({
        %run_scoped3A = tpu.sem_alloc : memref<!tpu.dma_semaphore, #tpu.memory_space<semaphore_mem>>
        %dma_start3A = arith.constant 0 : i32
        %dma_start3A_40 = tpu.memref_slice %arg12[%add3A_30, %dma_start3A] : memref<16384x64xf32, #tpu.memory_space<vmem_shared>> -> memref<128x64xf32, #tpu.memory_space<vmem_shared>>
        %dma_start3A_41 = arith.constant 0 : i32
        %dma_start3A_42 = tpu.memref_slice %arg12[%add3A_30, %dma_start3A_41] : memref<16384x64xf32, #tpu.memory_space<vmem_shared>> -> memref<128x64xf32, #tpu.memory_space<vmem_shared>>
        tpu.enqueue_dma source(%arg11 : memref<128x64xf32, #tpu.memory_space<vmem>>) target(%dma_start3A_42 : memref<128x64xf32, #tpu.memory_space<vmem_shared>>) target_semaphore(%run_scoped3A : memref<!tpu.dma_semaphore, #tpu.memory_space<semaphore_mem>>)
        %dma_wait3A = arith.constant 0 : i32
        %dma_wait3A_43 = tpu.memref_slice %arg12[%add3A_30, %dma_wait3A] : memref<16384x64xf32, #tpu.memory_space<vmem_shared>> -> memref<128x64xf32, #tpu.memory_space<vmem_shared>>
        %dma_wait3A_44 = arith.constant 0 : i32
        %dma_wait3A_45 = tpu.memref_slice %arg12[%add3A_30, %dma_wait3A_44] : memref<16384x64xf32, #tpu.memory_space<vmem_shared>> -> memref<128x64xf32, #tpu.memory_space<vmem_shared>>
        tpu.wait_dma2 semaphore(%run_scoped3A : memref<!tpu.dma_semaphore, #tpu.memory_space<semaphore_mem>>) src(%arg11 : memref<128x64xf32, #tpu.memory_space<vmem>>) dst(%dma_wait3A_45 : memref<128x64xf32, #tpu.memory_space<vmem_shared>>)
        tpu.yield
      }) : () -> ()
      %add3A_31 = arith.constant 896 : i32
      %add3A_32 = arith.addi %mul3A_4, %add3A_31 : i32
      "tpu.region"() ({
        %run_scoped3A = tpu.sem_alloc : memref<!tpu.dma_semaphore, #tpu.memory_space<semaphore_mem>>
        %dma_start3A = arith.constant 0 : i32
        %dma_start3A_40 = tpu.memref_slice %arg12[%add3A_32, %dma_start3A] : memref<16384x64xf32, #tpu.memory_space<vmem_shared>> -> memref<128x64xf32, #tpu.memory_space<vmem_shared>>
        %dma_start3A_41 = arith.constant 0 : i32
        %dma_start3A_42 = tpu.memref_slice %arg12[%add3A_32, %dma_start3A_41] : memref<16384x64xf32, #tpu.memory_space<vmem_shared>> -> memref<128x64xf32, #tpu.memory_space<vmem_shared>>
        tpu.enqueue_dma source(%arg11 : memref<128x64xf32, #tpu.memory_space<vmem>>) target(%dma_start3A_42 : memref<128x64xf32, #tpu.memory_space<vmem_shared>>) target_semaphore(%run_scoped3A : memref<!tpu.dma_semaphore, #tpu.memory_space<semaphore_mem>>)
        %dma_wait3A = arith.constant 0 : i32
        %dma_wait3A_43 = tpu.memref_slice %arg12[%add3A_32, %dma_wait3A] : memref<16384x64xf32, #tpu.memory_space<vmem_shared>> -> memref<128x64xf32, #tpu.memory_space<vmem_shared>>
        %dma_wait3A_44 = arith.constant 0 : i32
        %dma_wait3A_45 = tpu.memref_slice %arg12[%add3A_32, %dma_wait3A_44] : memref<16384x64xf32, #tpu.memory_space<vmem_shared>> -> memref<128x64xf32, #tpu.memory_space<vmem_shared>>
        tpu.wait_dma2 semaphore(%run_scoped3A : memref<!tpu.dma_semaphore, #tpu.memory_space<semaphore_mem>>) src(%arg11 : memref<128x64xf32, #tpu.memory_space<vmem>>) dst(%dma_wait3A_45 : memref<128x64xf32, #tpu.memory_space<vmem_shared>>)
        tpu.yield
      }) : () -> ()
      %barrier3A = arith.constant 0 : index
      tpu.barrier barrier_id(%barrier3A)
      %scan3A_33 = arith.constant 0 : i32
      %scan3A_34 = arith.constant 132 : i32
      %scan3A_35 = arith.addi %scan3A_33, %scan3A_34 : i32
      %scan3A_36 = arith.constant 1 : i32
      scf.for %scan3A_40 = %scan3A_33 to %scan3A_35 step %scan3A_36  : i32 {
        %mul3A_41 = arith.constant 1 : i32
        %mul3A_42 = arith.muli %scan3A_40, %mul3A_41 : i32
        %add3A_43 = arith.constant 0 : i32
        %add3A_44 = arith.addi %add3A_43, %mul3A_42 : i32
        %run_scoped3A = arith.constant 0 : i32
        "tpu.region"() ({
          %run_scoped3A_86 = tpu.sem_alloc : memref<!tpu.dma_semaphore, #tpu.memory_space<semaphore_mem>>
          %dma_start3A_87 = arith.constant 0 : i32
          %dma_start3A_88 = tpu.memref_slice %arg7[%run_scoped3A, %dma_start3A_87] : memref<1x128xi32, #tpu.memory_space<vmem>> -> memref<1x128xi32, #tpu.memory_space<vmem>>
          %dma_start3A_89 = tpu.memref_squeeze %dma_start3A_88 : memref<1x128xi32, #tpu.memory_space<vmem>> -> memref<128xi32, #tpu.memory_space<vmem>>
          %dma_start3A_90 = arith.constant 0 : i32
          %dma_start3A_91 = tpu.memref_slice %arg3[%arg1, %add3A_44, %dma_start3A_90] : memref<16x132x128xi32, #tpu.memory_space<hbm>> -> memref<1x1x128xi32, #tpu.memory_space<hbm>>
          %dma_start3A_92 = tpu.memref_squeeze %dma_start3A_91 : memref<1x1x128xi32, #tpu.memory_space<hbm>> -> memref<128xi32, #tpu.memory_space<hbm>>
          %dma_start3A_93 = arith.constant 0 : i32
          %dma_start3A_94 = tpu.memref_slice %arg7[%run_scoped3A, %dma_start3A_93] : memref<1x128xi32, #tpu.memory_space<vmem>> -> memref<1x128xi32, #tpu.memory_space<vmem>>
          %dma_start3A_95 = tpu.memref_squeeze %dma_start3A_94 : memref<1x128xi32, #tpu.memory_space<vmem>> -> memref<128xi32, #tpu.memory_space<vmem>>
          %dma_start3A_96 = arith.constant 0 : i32
          %dma_start3A_97 = tpu.memref_slice %arg3[%arg1, %add3A_44, %dma_start3A_96] : memref<16x132x128xi32, #tpu.memory_space<hbm>> -> memref<1x1x128xi32, #tpu.memory_space<hbm>>
          %dma_start3A_98 = tpu.memref_squeeze %dma_start3A_97 : memref<1x1x128xi32, #tpu.memory_space<hbm>> -> memref<128xi32, #tpu.memory_space<hbm>>
          tpu.enqueue_dma source(%dma_start3A_98 : memref<128xi32, #tpu.memory_space<hbm>>) target(%dma_start3A_95 : memref<128xi32, #tpu.memory_space<vmem>>) target_semaphore(%run_scoped3A_86 : memref<!tpu.dma_semaphore, #tpu.memory_space<semaphore_mem>>)
          %dma_wait3A_99 = arith.constant 0 : i32
          %dma_wait3A_100 = tpu.memref_slice %arg7[%run_scoped3A, %dma_wait3A_99] : memref<1x128xi32, #tpu.memory_space<vmem>> -> memref<1x128xi32, #tpu.memory_space<vmem>>
          %dma_wait3A_101 = tpu.memref_squeeze %dma_wait3A_100 : memref<1x128xi32, #tpu.memory_space<vmem>> -> memref<128xi32, #tpu.memory_space<vmem>>
          %dma_wait3A_102 = arith.constant 0 : i32
          %dma_wait3A_103 = tpu.memref_slice %arg3[%arg1, %add3A_44, %dma_wait3A_102] : memref<16x132x128xi32, #tpu.memory_space<hbm>> -> memref<1x1x128xi32, #tpu.memory_space<hbm>>
          %dma_wait3A_104 = tpu.memref_squeeze %dma_wait3A_103 : memref<1x1x128xi32, #tpu.memory_space<hbm>> -> memref<128xi32, #tpu.memory_space<hbm>>
          %dma_wait3A_105 = arith.constant 0 : i32
          %dma_wait3A_106 = tpu.memref_slice %arg7[%run_scoped3A, %dma_wait3A_105] : memref<1x128xi32, #tpu.memory_space<vmem>> -> memref<1x128xi32, #tpu.memory_space<vmem>>
          %dma_wait3A_107 = tpu.memref_squeeze %dma_wait3A_106 : memref<1x128xi32, #tpu.memory_space<vmem>> -> memref<128xi32, #tpu.memory_space<vmem>>
          %dma_wait3A_108 = arith.constant 0 : i32
          %dma_wait3A_109 = tpu.memref_slice %arg3[%arg1, %add3A_44, %dma_wait3A_108] : memref<16x132x128xi32, #tpu.memory_space<hbm>> -> memref<1x1x128xi32, #tpu.memory_space<hbm>>
          %dma_wait3A_110 = tpu.memref_squeeze %dma_wait3A_109 : memref<1x1x128xi32, #tpu.memory_space<hbm>> -> memref<128xi32, #tpu.memory_space<hbm>>
          tpu.wait_dma2 semaphore(%run_scoped3A_86 : memref<!tpu.dma_semaphore, #tpu.memory_space<semaphore_mem>>) src(%dma_wait3A_110 : memref<128xi32, #tpu.memory_space<hbm>>) dst(%dma_wait3A_107 : memref<128xi32, #tpu.memory_space<vmem>>)
          tpu.yield
        }) : () -> ()
        %run_scoped3A_45 = arith.constant 0 : i32
        "tpu.region"() ({
          %run_scoped3A_86 = tpu.sem_alloc : memref<!tpu.dma_semaphore, #tpu.memory_space<semaphore_mem>>
          %dma_start3A_87 = arith.constant 0 : i32
          %dma_start3A_88 = tpu.memref_slice %arg8[%run_scoped3A_45, %dma_start3A_87] : memref<1x128xi32, #tpu.memory_space<vmem>> -> memref<1x128xi32, #tpu.memory_space<vmem>>
          %dma_start3A_89 = tpu.memref_squeeze %dma_start3A_88 : memref<1x128xi32, #tpu.memory_space<vmem>> -> memref<128xi32, #tpu.memory_space<vmem>>
          %dma_start3A_90 = arith.constant 0 : i32
          %dma_start3A_91 = tpu.memref_slice %arg4[%arg1, %add3A_44, %dma_start3A_90] : memref<16x132x128xi32, #tpu.memory_space<hbm>> -> memref<1x1x128xi32, #tpu.memory_space<hbm>>
          %dma_start3A_92 = tpu.memref_squeeze %dma_start3A_91 : memref<1x1x128xi32, #tpu.memory_space<hbm>> -> memref<128xi32, #tpu.memory_space<hbm>>
          %dma_start3A_93 = arith.constant 0 : i32
          %dma_start3A_94 = tpu.memref_slice %arg8[%run_scoped3A_45, %dma_start3A_93] : memref<1x128xi32, #tpu.memory_space<vmem>> -> memref<1x128xi32, #tpu.memory_space<vmem>>
          %dma_start3A_95 = tpu.memref_squeeze %dma_start3A_94 : memref<1x128xi32, #tpu.memory_space<vmem>> -> memref<128xi32, #tpu.memory_space<vmem>>
          %dma_start3A_96 = arith.constant 0 : i32
          %dma_start3A_97 = tpu.memref_slice %arg4[%arg1, %add3A_44, %dma_start3A_96] : memref<16x132x128xi32, #tpu.memory_space<hbm>> -> memref<1x1x128xi32, #tpu.memory_space<hbm>>
          %dma_start3A_98 = tpu.memref_squeeze %dma_start3A_97 : memref<1x1x128xi32, #tpu.memory_space<hbm>> -> memref<128xi32, #tpu.memory_space<hbm>>
          tpu.enqueue_dma source(%dma_start3A_98 : memref<128xi32, #tpu.memory_space<hbm>>) target(%dma_start3A_95 : memref<128xi32, #tpu.memory_space<vmem>>) target_semaphore(%run_scoped3A_86 : memref<!tpu.dma_semaphore, #tpu.memory_space<semaphore_mem>>)
          %dma_wait3A_99 = arith.constant 0 : i32
          %dma_wait3A_100 = tpu.memref_slice %arg8[%run_scoped3A_45, %dma_wait3A_99] : memref<1x128xi32, #tpu.memory_space<vmem>> -> memref<1x128xi32, #tpu.memory_space<vmem>>
          %dma_wait3A_101 = tpu.memref_squeeze %dma_wait3A_100 : memref<1x128xi32, #tpu.memory_space<vmem>> -> memref<128xi32, #tpu.memory_space<vmem>>
          %dma_wait3A_102 = arith.constant 0 : i32
          %dma_wait3A_103 = tpu.memref_slice %arg4[%arg1, %add3A_44, %dma_wait3A_102] : memref<16x132x128xi32, #tpu.memory_space<hbm>> -> memref<1x1x128xi32, #tpu.memory_space<hbm>>
          %dma_wait3A_104 = tpu.memref_squeeze %dma_wait3A_103 : memref<1x1x128xi32, #tpu.memory_space<hbm>> -> memref<128xi32, #tpu.memory_space<hbm>>
          %dma_wait3A_105 = arith.constant 0 : i32
          %dma_wait3A_106 = tpu.memref_slice %arg8[%run_scoped3A_45, %dma_wait3A_105] : memref<1x128xi32, #tpu.memory_space<vmem>> -> memref<1x128xi32, #tpu.memory_space<vmem>>
          %dma_wait3A_107 = tpu.memref_squeeze %dma_wait3A_106 : memref<1x128xi32, #tpu.memory_space<vmem>> -> memref<128xi32, #tpu.memory_space<vmem>>
          %dma_wait3A_108 = arith.constant 0 : i32
          %dma_wait3A_109 = tpu.memref_slice %arg4[%arg1, %add3A_44, %dma_wait3A_108] : memref<16x132x128xi32, #tpu.memory_space<hbm>> -> memref<1x1x128xi32, #tpu.memory_space<hbm>>
          %dma_wait3A_110 = tpu.memref_squeeze %dma_wait3A_109 : memref<1x1x128xi32, #tpu.memory_space<hbm>> -> memref<128xi32, #tpu.memory_space<hbm>>
          tpu.wait_dma2 semaphore(%run_scoped3A_86 : memref<!tpu.dma_semaphore, #tpu.memory_space<semaphore_mem>>) src(%dma_wait3A_110 : memref<128xi32, #tpu.memory_space<hbm>>) dst(%dma_wait3A_107 : memref<128xi32, #tpu.memory_space<vmem>>)
          tpu.yield
        }) : () -> ()
        %run_scoped3A_46 = arith.constant 0 : i32
        "tpu.region"() ({
          %run_scoped3A_86 = tpu.sem_alloc : memref<!tpu.dma_semaphore, #tpu.memory_space<semaphore_mem>>
          %dma_start3A_87 = arith.constant 0 : i32
          %dma_start3A_88 = tpu.memref_slice %arg9[%run_scoped3A_46, %dma_start3A_87] : memref<1x128xf32, #tpu.memory_space<vmem>> -> memref<1x128xf32, #tpu.memory_space<vmem>>
          %dma_start3A_89 = tpu.memref_squeeze %dma_start3A_88 : memref<1x128xf32, #tpu.memory_space<vmem>> -> memref<128xf32, #tpu.memory_space<vmem>>
          %dma_start3A_90 = arith.constant 0 : i32
          %dma_start3A_91 = tpu.memref_slice %arg5[%arg1, %add3A_44, %dma_start3A_90] : memref<16x132x128xf32, #tpu.memory_space<hbm>> -> memref<1x1x128xf32, #tpu.memory_space<hbm>>
          %dma_start3A_92 = tpu.memref_squeeze %dma_start3A_91 : memref<1x1x128xf32, #tpu.memory_space<hbm>> -> memref<128xf32, #tpu.memory_space<hbm>>
          %dma_start3A_93 = arith.constant 0 : i32
          %dma_start3A_94 = tpu.memref_slice %arg9[%run_scoped3A_46, %dma_start3A_93] : memref<1x128xf32, #tpu.memory_space<vmem>> -> memref<1x128xf32, #tpu.memory_space<vmem>>
          %dma_start3A_95 = tpu.memref_squeeze %dma_start3A_94 : memref<1x128xf32, #tpu.memory_space<vmem>> -> memref<128xf32, #tpu.memory_space<vmem>>
          %dma_start3A_96 = arith.constant 0 : i32
          %dma_start3A_97 = tpu.memref_slice %arg5[%arg1, %add3A_44, %dma_start3A_96] : memref<16x132x128xf32, #tpu.memory_space<hbm>> -> memref<1x1x128xf32, #tpu.memory_space<hbm>>
          %dma_start3A_98 = tpu.memref_squeeze %dma_start3A_97 : memref<1x1x128xf32, #tpu.memory_space<hbm>> -> memref<128xf32, #tpu.memory_space<hbm>>
          tpu.enqueue_dma source(%dma_start3A_98 : memref<128xf32, #tpu.memory_space<hbm>>) target(%dma_start3A_95 : memref<128xf32, #tpu.memory_space<vmem>>) target_semaphore(%run_scoped3A_86 : memref<!tpu.dma_semaphore, #tpu.memory_space<semaphore_mem>>)
          %dma_wait3A_99 = arith.constant 0 : i32
          %dma_wait3A_100 = tpu.memref_slice %arg9[%run_scoped3A_46, %dma_wait3A_99] : memref<1x128xf32, #tpu.memory_space<vmem>> -> memref<1x128xf32, #tpu.memory_space<vmem>>
          %dma_wait3A_101 = tpu.memref_squeeze %dma_wait3A_100 : memref<1x128xf32, #tpu.memory_space<vmem>> -> memref<128xf32, #tpu.memory_space<vmem>>
          %dma_wait3A_102 = arith.constant 0 : i32
          %dma_wait3A_103 = tpu.memref_slice %arg5[%arg1, %add3A_44, %dma_wait3A_102] : memref<16x132x128xf32, #tpu.memory_space<hbm>> -> memref<1x1x128xf32, #tpu.memory_space<hbm>>
          %dma_wait3A_104 = tpu.memref_squeeze %dma_wait3A_103 : memref<1x1x128xf32, #tpu.memory_space<hbm>> -> memref<128xf32, #tpu.memory_space<hbm>>
          %dma_wait3A_105 = arith.constant 0 : i32
          %dma_wait3A_106 = tpu.memref_slice %arg9[%run_scoped3A_46, %dma_wait3A_105] : memref<1x128xf32, #tpu.memory_space<vmem>> -> memref<1x128xf32, #tpu.memory_space<vmem>>
          %dma_wait3A_107 = tpu.memref_squeeze %dma_wait3A_106 : memref<1x128xf32, #tpu.memory_space<vmem>> -> memref<128xf32, #tpu.memory_space<vmem>>
          %dma_wait3A_108 = arith.constant 0 : i32
          %dma_wait3A_109 = tpu.memref_slice %arg5[%arg1, %add3A_44, %dma_wait3A_108] : memref<16x132x128xf32, #tpu.memory_space<hbm>> -> memref<1x1x128xf32, #tpu.memory_space<hbm>>
          %dma_wait3A_110 = tpu.memref_squeeze %dma_wait3A_109 : memref<1x1x128xf32, #tpu.memory_space<hbm>> -> memref<128xf32, #tpu.memory_space<hbm>>
          tpu.wait_dma2 semaphore(%run_scoped3A_86 : memref<!tpu.dma_semaphore, #tpu.memory_space<semaphore_mem>>) src(%dma_wait3A_110 : memref<128xf32, #tpu.memory_space<hbm>>) dst(%dma_wait3A_107 : memref<128xf32, #tpu.memory_space<vmem>>)
          tpu.yield
        }) : () -> ()
        %dma_start3A = arith.constant 0 : i32
        %dma_start3A_47 = arith.constant 0 : i32
        %dma_start3A_48 = tpu.memref_slice %arg7[%dma_start3A, %dma_start3A_47] : memref<1x128xi32, #tpu.memory_space<vmem>> -> memref<1x128xi32, #tpu.memory_space<vmem>>
        %dma_start3A_49 = tpu.memref_squeeze %dma_start3A_48 : memref<1x128xi32, #tpu.memory_space<vmem>> -> memref<128xi32, #tpu.memory_space<vmem>>
        %dma_start3A_50 = arith.constant 0 : i32
        %dma_start3A_51 = arith.constant 0 : i32
        %dma_start3A_52 = tpu.memref_slice %arg2[%add3A_16, %dma_start3A_50, %dma_start3A_51] : memref<16x16384x64xf32, #tpu.memory_space<hbm>> -> memref<1x16384x64xf32, #tpu.memory_space<hbm>>
        %dma_start3A_53 = tpu.memref_squeeze %dma_start3A_52 : memref<1x16384x64xf32, #tpu.memory_space<hbm>> -> memref<16384x64xf32, #tpu.memory_space<hbm>>
        %dma_start3A_54 = arith.constant 0 : i32
        %dma_start3A_55 = arith.constant 0 : i32
        %dma_start3A_56 = tpu.memref_slice %dma_start3A_53[%dma_start3A_54, %dma_start3A_55] : memref<16384x64xf32, #tpu.memory_space<hbm>> -> memref<16384x64xf32, #tpu.memory_space<hbm>>
        tpu.enqueue_indirect_dma source(%dma_start3A_56 : memref<16384x64xf32, #tpu.memory_space<hbm>>) target(%arg10 : memref<128x64xf32, #tpu.memory_space<vmem>>) offsets(%dma_start3A_49 : memref<128xi32, #tpu.memory_space<vmem>>) semaphore(%arg13 : memref<!tpu.dma_semaphore, #tpu.memory_space<semaphore_mem>>)
        %dma_wait3A = arith.constant 0 : i32
        %dma_wait3A_57 = arith.constant 0 : i32
        %dma_wait3A_58 = tpu.memref_slice %arg7[%dma_wait3A, %dma_wait3A_57] : memref<1x128xi32, #tpu.memory_space<vmem>> -> memref<1x128xi32, #tpu.memory_space<vmem>>
        %dma_wait3A_59 = tpu.memref_squeeze %dma_wait3A_58 : memref<1x128xi32, #tpu.memory_space<vmem>> -> memref<128xi32, #tpu.memory_space<vmem>>
        %dma_wait3A_60 = arith.constant 0 : i32
        %dma_wait3A_61 = arith.constant 0 : i32
        %dma_wait3A_62 = tpu.memref_slice %arg2[%add3A_16, %dma_wait3A_60, %dma_wait3A_61] : memref<16x16384x64xf32, #tpu.memory_space<hbm>> -> memref<1x16384x64xf32, #tpu.memory_space<hbm>>
        %dma_wait3A_63 = tpu.memref_squeeze %dma_wait3A_62 : memref<1x16384x64xf32, #tpu.memory_space<hbm>> -> memref<16384x64xf32, #tpu.memory_space<hbm>>
        %dma_wait3A_64 = arith.constant 0 : i32
        %dma_wait3A_65 = arith.constant 0 : i32
        %dma_wait3A_66 = tpu.memref_slice %dma_wait3A_63[%dma_wait3A_64, %dma_wait3A_65] : memref<16384x64xf32, #tpu.memory_space<hbm>> -> memref<16384x64xf32, #tpu.memory_space<hbm>>
        tpu.wait_indirect_dma semaphore(%arg13 : memref<!tpu.dma_semaphore, #tpu.memory_space<semaphore_mem>>) src(%dma_wait3A_66 : memref<16384x64xf32, #tpu.memory_space<hbm>>) dst(%arg10 : memref<128x64xf32, #tpu.memory_space<vmem>>)
        %scan3A_67 = arith.constant 0 : i32
        %scan3A_68 = arith.constant 8 : i32
        %scan3A_69 = arith.addi %scan3A_67, %scan3A_68 : i32
        %scan3A_70 = arith.constant 1 : i32
        scf.for %scan3A_86 = %scan3A_67 to %scan3A_69 step %scan3A_70  : i32 {
          %mul3A_87 = arith.constant 1 : i32
          %mul3A_88 = arith.muli %scan3A_86, %mul3A_87 : i32
          %add3A_89 = arith.constant 0 : i32
          %add3A_90 = arith.addi %add3A_89, %mul3A_88 : i32
          %mul3A_91 = arith.constant 16 : i32
          %mul3A_92 = arith.muli %add3A_90, %mul3A_91 : i32
          %get3A = arith.constant 0 : i32
          %get3A_93 = arith.index_cast %get3A : i32 to index
          %get3A_94 = arith.index_cast %mul3A_92 : i32 to index
          %get3A_95 = tpu.vector_load %arg9[%get3A_93, %get3A_94] {strides = array<i32>} : memref<1x128xf32, #tpu.memory_space<vmem>>, vector<1x16xf32>,
          %get3A_96 = vector.shape_cast %get3A_95 : vector<1x16xf32> to vector<16xf32>
          %slice3A = vector.extract_strided_slice %get3A_96 {offsets = [0], sizes = [1], strides = [1]} : vector<16xf32> to vector<1xf32>
          %squeeze3A = vector.extract %slice3A[0] : f32 from vector<1xf32>
          %mul3A_97 = arith.constant 16 : i32
          %mul3A_98 = arith.muli %add3A_90, %mul3A_97 : i32
          %add3A_99 = arith.constant 0 : i32
          %add3A_100 = arith.addi %mul3A_98, %add3A_99 : i32
          %get3A_101 = arith.index_cast %add3A_100 : i32 to index
          %get3A_102 = arith.constant 0 : index
          %get3A_103 = tpu.vector_load %arg10[%get3A_101, %get3A_102] {strides = array<i32>} : memref<128x64xf32, #tpu.memory_space<vmem>>, vector<1x16xf32>,
          %get3A_104 = vector.shape_cast %get3A_103 : vector<1x16xf32> to vector<16xf32>
          %mul3A_105 = vector.broadcast %squeeze3A : f32 to vector<16xf32>
          %mul3A_106 = arith.mulf %get3A_104, %mul3A_105 : vector<16xf32>
          %swap3A = arith.index_cast %add3A_100 : i32 to index
          %swap3A_107 = arith.constant 0 : index
          %swap3A_108 = tpu.vector_load %arg10[%swap3A, %swap3A_107] {strides = array<i32>} : memref<128x64xf32, #tpu.memory_space<vmem>>, vector<1x16xf32>,
          %swap3A_109 = vector.shape_cast %swap3A_108 : vector<1x16xf32> to vector<16xf32>
          %swap3A_110 = vector.shape_cast %mul3A_106 : vector<16xf32> to vector<1x16xf32>
          tpu.vector_store %arg10[%swap3A, %swap3A_107], %swap3A_110 {strides = array<i32>} : memref<128x64xf32, #tpu.memory_space<vmem>>, vector<1x16xf32>,
          %get3A_111 = arith.index_cast %add3A_100 : i32 to index
          %get3A_112 = arith.constant 16 : index
          %get3A_113 = tpu.vector_load %arg10[%get3A_111, %get3A_112] {strides = array<i32>} : memref<128x64xf32, #tpu.memory_space<vmem>>, vector<1x16xf32>,
          %get3A_114 = vector.shape_cast %get3A_113 : vector<1x16xf32> to vector<16xf32>
          %mul3A_115 = vector.broadcast %squeeze3A : f32 to vector<16xf32>
          %mul3A_116 = arith.mulf %get3A_114, %mul3A_115 : vector<16xf32>
          %swap3A_117 = arith.index_cast %add3A_100 : i32 to index
          %swap3A_118 = arith.constant 16 : index
          %swap3A_119 = tpu.vector_load %arg10[%swap3A_117, %swap3A_118] {strides = array<i32>} : memref<128x64xf32, #tpu.memory_space<vmem>>, vector<1x16xf32>,
          %swap3A_120 = vector.shape_cast %swap3A_119 : vector<1x16xf32> to vector<16xf32>
          %swap3A_121 = vector.shape_cast %mul3A_116 : vector<16xf32> to vector<1x16xf32>
          tpu.vector_store %arg10[%swap3A_117, %swap3A_118], %swap3A_121 {strides = array<i32>} : memref<128x64xf32, #tpu.memory_space<vmem>>, vector<1x16xf32>,
          %get3A_122 = arith.index_cast %add3A_100 : i32 to index
          %get3A_123 = arith.constant 32 : index
          %get3A_124 = tpu.vector_load %arg10[%get3A_122, %get3A_123] {strides = array<i32>} : memref<128x64xf32, #tpu.memory_space<vmem>>, vector<1x16xf32>,
          %get3A_125 = vector.shape_cast %get3A_124 : vector<1x16xf32> to vector<16xf32>
          %mul3A_126 = vector.broadcast %squeeze3A : f32 to vector<16xf32>
          %mul3A_127 = arith.mulf %get3A_125, %mul3A_126 : vector<16xf32>
          %swap3A_128 = arith.index_cast %add3A_100 : i32 to index
          %swap3A_129 = arith.constant 32 : index
          %swap3A_130 = tpu.vector_load %arg10[%swap3A_128, %swap3A_129] {strides = array<i32>} : memref<128x64xf32, #tpu.memory_space<vmem>>, vector<1x16xf32>,
          %swap3A_131 = vector.shape_cast %swap3A_130 : vector<1x16xf32> to vector<16xf32>
          %swap3A_132 = vector.shape_cast %mul3A_127 : vector<16xf32> to vector<1x16xf32>
          tpu.vector_store %arg10[%swap3A_128, %swap3A_129], %swap3A_132 {strides = array<i32>} : memref<128x64xf32, #tpu.memory_space<vmem>>, vector<1x16xf32>,
          %get3A_133 = arith.index_cast %add3A_100 : i32 to index
          %get3A_134 = arith.constant 48 : index
          %get3A_135 = tpu.vector_load %arg10[%get3A_133, %get3A_134] {strides = array<i32>} : memref<128x64xf32, #tpu.memory_space<vmem>>, vector<1x16xf32>,
          %get3A_136 = vector.shape_cast %get3A_135 : vector<1x16xf32> to vector<16xf32>
          %mul3A_137 = vector.broadcast %squeeze3A : f32 to vector<16xf32>
          %mul3A_138 = arith.mulf %get3A_136, %mul3A_137 : vector<16xf32>
          %swap3A_139 = arith.index_cast %add3A_100 : i32 to index
          %swap3A_140 = arith.constant 48 : index
          %swap3A_141 = tpu.vector_load %arg10[%swap3A_139, %swap3A_140] {strides = array<i32>} : memref<128x64xf32, #tpu.memory_space<vmem>>, vector<1x16xf32>,
          %swap3A_142 = vector.shape_cast %swap3A_141 : vector<1x16xf32> to vector<16xf32>
          %swap3A_143 = vector.shape_cast %mul3A_138 : vector<16xf32> to vector<1x16xf32>
          tpu.vector_store %arg10[%swap3A_139, %swap3A_140], %swap3A_143 {strides = array<i32>} : memref<128x64xf32, #tpu.memory_space<vmem>>, vector<1x16xf32>,
          %slice3A_144 = vector.extract_strided_slice %get3A_96 {offsets = [1], sizes = [1], strides = [1]} : vector<16xf32> to vector<1xf32>
          %squeeze3A_145 = vector.extract %slice3A_144[0] : f32 from vector<1xf32>
          %mul3A_146 = arith.constant 16 : i32
          %mul3A_147 = arith.muli %add3A_90, %mul3A_146 : i32
          %add3A_148 = arith.constant 1 : i32
          %add3A_149 = arith.addi %mul3A_147, %add3A_148 : i32
          %get3A_150 = arith.index_cast %add3A_149 : i32 to index
          %get3A_151 = arith.constant 0 : index
          %get3A_152 = tpu.vector_load %arg10[%get3A_150, %get3A_151] {strides = array<i32>} : memref<128x64xf32, #tpu.memory_space<vmem>>, vector<1x16xf32>,
          %get3A_153 = vector.shape_cast %get3A_152 : vector<1x16xf32> to vector<16xf32>
          %mul3A_154 = vector.broadcast %squeeze3A_145 : f32 to vector<16xf32>
          %mul3A_155 = arith.mulf %get3A_153, %mul3A_154 : vector<16xf32>
          %swap3A_156 = arith.index_cast %add3A_149 : i32 to index
          %swap3A_157 = arith.constant 0 : index
          %swap3A_158 = tpu.vector_load %arg10[%swap3A_156, %swap3A_157] {strides = array<i32>} : memref<128x64xf32, #tpu.memory_space<vmem>>, vector<1x16xf32>,
          %swap3A_159 = vector.shape_cast %swap3A_158 : vector<1x16xf32> to vector<16xf32>
          %swap3A_160 = vector.shape_cast %mul3A_155 : vector<16xf32> to vector<1x16xf32>
          tpu.vector_store %arg10[%swap3A_156, %swap3A_157], %swap3A_160 {strides = array<i32>} : memref<128x64xf32, #tpu.memory_space<vmem>>, vector<1x16xf32>,
          %get3A_161 = arith.index_cast %add3A_149 : i32 to index
          %get3A_162 = arith.constant 16 : index
          %get3A_163 = tpu.vector_load %arg10[%get3A_161, %get3A_162] {strides = array<i32>} : memref<128x64xf32, #tpu.memory_space<vmem>>, vector<1x16xf32>,
          %get3A_164 = vector.shape_cast %get3A_163 : vector<1x16xf32> to vector<16xf32>
          %mul3A_165 = vector.broadcast %squeeze3A_145 : f32 to vector<16xf32>
          %mul3A_166 = arith.mulf %get3A_164, %mul3A_165 : vector<16xf32>
          %swap3A_167 = arith.index_cast %add3A_149 : i32 to index
          %swap3A_168 = arith.constant 16 : index
          %swap3A_169 = tpu.vector_load %arg10[%swap3A_167, %swap3A_168] {strides = array<i32>} : memref<128x64xf32, #tpu.memory_space<vmem>>, vector<1x16xf32>,
          %swap3A_170 = vector.shape_cast %swap3A_169 : vector<1x16xf32> to vector<16xf32>
          %swap3A_171 = vector.shape_cast %mul3A_166 : vector<16xf32> to vector<1x16xf32>
          tpu.vector_store %arg10[%swap3A_167, %swap3A_168], %swap3A_171 {strides = array<i32>} : memref<128x64xf32, #tpu.memory_space<vmem>>, vector<1x16xf32>,
          %get3A_172 = arith.index_cast %add3A_149 : i32 to index
          %get3A_173 = arith.constant 32 : index
          %get3A_174 = tpu.vector_load %arg10[%get3A_172, %get3A_173] {strides = array<i32>} : memref<128x64xf32, #tpu.memory_space<vmem>>, vector<1x16xf32>,
          %get3A_175 = vector.shape_cast %get3A_174 : vector<1x16xf32> to vector<16xf32>
          %mul3A_176 = vector.broadcast %squeeze3A_145 : f32 to vector<16xf32>
          %mul3A_177 = arith.mulf %get3A_175, %mul3A_176 : vector<16xf32>
          %swap3A_178 = arith.index_cast %add3A_149 : i32 to index
          %swap3A_179 = arith.constant 32 : index
          %swap3A_180 = tpu.vector_load %arg10[%swap3A_178, %swap3A_179] {strides = array<i32>} : memref<128x64xf32, #tpu.memory_space<vmem>>, vector<1x16xf32>,
          %swap3A_181 = vector.shape_cast %swap3A_180 : vector<1x16xf32> to vector<16xf32>
          %swap3A_182 = vector.shape_cast %mul3A_177 : vector<16xf32> to vector<1x16xf32>
          tpu.vector_store %arg10[%swap3A_178, %swap3A_179], %swap3A_182 {strides = array<i32>} : memref<128x64xf32, #tpu.memory_space<vmem>>, vector<1x16xf32>,
          %get3A_183 = arith.index_cast %add3A_149 : i32 to index
          %get3A_184 = arith.constant 48 : index
          %get3A_185 = tpu.vector_load %arg10[%get3A_183, %get3A_184] {strides = array<i32>} : memref<128x64xf32, #tpu.memory_space<vmem>>, vector<1x16xf32>,
          %get3A_186 = vector.shape_cast %get3A_185 : vector<1x16xf32> to vector<16xf32>
          %mul3A_187 = vector.broadcast %squeeze3A_145 : f32 to vector<16xf32>
          %mul3A_188 = arith.mulf %get3A_186, %mul3A_187 : vector<16xf32>
          %swap3A_189 = arith.index_cast %add3A_149 : i32 to index
          %swap3A_190 = arith.constant 48 : index
          %swap3A_191 = tpu.vector_load %arg10[%swap3A_189, %swap3A_190] {strides = array<i32>} : memref<128x64xf32, #tpu.memory_space<vmem>>, vector<1x16xf32>,
          %swap3A_192 = vector.shape_cast %swap3A_191 : vector<1x16xf32> to vector<16xf32>
          %swap3A_193 = vector.shape_cast %mul3A_188 : vector<16xf32> to vector<1x16xf32>
          tpu.vector_store %arg10[%swap3A_189, %swap3A_190], %swap3A_193 {strides = array<i32>} : memref<128x64xf32, #tpu.memory_space<vmem>>, vector<1x16xf32>,
          %slice3A_194 = vector.extract_strided_slice %get3A_96 {offsets = [2], sizes = [1], strides = [1]} : vector<16xf32> to vector<1xf32>
          %squeeze3A_195 = vector.extract %slice3A_194[0] : f32 from vector<1xf32>
          %mul3A_196 = arith.constant 16 : i32
          %mul3A_197 = arith.muli %add3A_90, %mul3A_196 : i32
          %add3A_198 = arith.constant 2 : i32
          %add3A_199 = arith.addi %mul3A_197, %add3A_198 : i32
          %get3A_200 = arith.index_cast %add3A_199 : i32 to index
          %get3A_201 = arith.constant 0 : index
          %get3A_202 = tpu.vector_load %arg10[%get3A_200, %get3A_201] {strides = array<i32>} : memref<128x64xf32, #tpu.memory_space<vmem>>, vector<1x16xf32>,
          %get3A_203 = vector.shape_cast %get3A_202 : vector<1x16xf32> to vector<16xf32>
          %mul3A_204 = vector.broadcast %squeeze3A_195 : f32 to vector<16xf32>
          %mul3A_205 = arith.mulf %get3A_203, %mul3A_204 : vector<16xf32>
          %swap3A_206 = arith.index_cast %add3A_199 : i32 to index
          %swap3A_207 = arith.constant 0 : index
          %swap3A_208 = tpu.vector_load %arg10[%swap3A_206, %swap3A_207] {strides = array<i32>} : memref<128x64xf32, #tpu.memory_space<vmem>>, vector<1x16xf32>,
          %swap3A_209 = vector.shape_cast %swap3A_208 : vector<1x16xf32> to vector<16xf32>
          %swap3A_210 = vector.shape_cast %mul3A_205 : vector<16xf32> to vector<1x16xf32>
          tpu.vector_store %arg10[%swap3A_206, %swap3A_207], %swap3A_210 {strides = array<i32>} : memref<128x64xf32, #tpu.memory_space<vmem>>, vector<1x16xf32>,
          %get3A_211 = arith.index_cast %add3A_199 : i32 to index
          %get3A_212 = arith.constant 16 : index
          %get3A_213 = tpu.vector_load %arg10[%get3A_211, %get3A_212] {strides = array<i32>} : memref<128x64xf32, #tpu.memory_space<vmem>>, vector<1x16xf32>,
          %get3A_214 = vector.shape_cast %get3A_213 : vector<1x16xf32> to vector<16xf32>
          %mul3A_215 = vector.broadcast %squeeze3A_195 : f32 to vector<16xf32>
          %mul3A_216 = arith.mulf %get3A_214, %mul3A_215 : vector<16xf32>
          %swap3A_217 = arith.index_cast %add3A_199 : i32 to index
          %swap3A_218 = arith.constant 16 : index
          %swap3A_219 = tpu.vector_load %arg10[%swap3A_217, %swap3A_218] {strides = array<i32>} : memref<128x64xf32, #tpu.memory_space<vmem>>, vector<1x16xf32>,
          %swap3A_220 = vector.shape_cast %swap3A_219 : vector<1x16xf32> to vector<16xf32>
          %swap3A_221 = vector.shape_cast %mul3A_216 : vector<16xf32> to vector<1x16xf32>
          tpu.vector_store %arg10[%swap3A_217, %swap3A_218], %swap3A_221 {strides = array<i32>} : memref<128x64xf32, #tpu.memory_space<vmem>>, vector<1x16xf32>,
          %get3A_222 = arith.index_cast %add3A_199 : i32 to index
          %get3A_223 = arith.constant 32 : index
          %get3A_224 = tpu.vector_load %arg10[%get3A_222, %get3A_223] {strides = array<i32>} : memref<128x64xf32, #tpu.memory_space<vmem>>, vector<1x16xf32>,
          %get3A_225 = vector.shape_cast %get3A_224 : vector<1x16xf32> to vector<16xf32>
          %mul3A_226 = vector.broadcast %squeeze3A_195 : f32 to vector<16xf32>
          %mul3A_227 = arith.mulf %get3A_225, %mul3A_226 : vector<16xf32>
          %swap3A_228 = arith.index_cast %add3A_199 : i32 to index
          %swap3A_229 = arith.constant 32 : index
          %swap3A_230 = tpu.vector_load %arg10[%swap3A_228, %swap3A_229] {strides = array<i32>} : memref<128x64xf32, #tpu.memory_space<vmem>>, vector<1x16xf32>,
          %swap3A_231 = vector.shape_cast %swap3A_230 : vector<1x16xf32> to vector<16xf32>
          %swap3A_232 = vector.shape_cast %mul3A_227 : vector<16xf32> to vector<1x16xf32>
          tpu.vector_store %arg10[%swap3A_228, %swap3A_229], %swap3A_232 {strides = array<i32>} : memref<128x64xf32, #tpu.memory_space<vmem>>, vector<1x16xf32>,
          %get3A_233 = arith.index_cast %add3A_199 : i32 to index
          %get3A_234 = arith.constant 48 : index
          %get3A_235 = tpu.vector_load %arg10[%get3A_233, %get3A_234] {strides = array<i32>} : memref<128x64xf32, #tpu.memory_space<vmem>>, vector<1x16xf32>,
          %get3A_236 = vector.shape_cast %get3A_235 : vector<1x16xf32> to vector<16xf32>
          %mul3A_237 = vector.broadcast %squeeze3A_195 : f32 to vector<16xf32>
          %mul3A_238 = arith.mulf %get3A_236, %mul3A_237 : vector<16xf32>
          %swap3A_239 = arith.index_cast %add3A_199 : i32 to index
          %swap3A_240 = arith.constant 48 : index
          %swap3A_241 = tpu.vector_load %arg10[%swap3A_239, %swap3A_240] {strides = array<i32>} : memref<128x64xf32, #tpu.memory_space<vmem>>, vector<1x16xf32>,
          %swap3A_242 = vector.shape_cast %swap3A_241 : vector<1x16xf32> to vector<16xf32>
          %swap3A_243 = vector.shape_cast %mul3A_238 : vector<16xf32> to vector<1x16xf32>
          tpu.vector_store %arg10[%swap3A_239, %swap3A_240], %swap3A_243 {strides = array<i32>} : memref<128x64xf32, #tpu.memory_space<vmem>>, vector<1x16xf32>,
          %slice3A_244 = vector.extract_strided_slice %get3A_96 {offsets = [3], sizes = [1], strides = [1]} : vector<16xf32> to vector<1xf32>
          %squeeze3A_245 = vector.extract %slice3A_244[0] : f32 from vector<1xf32>
          %mul3A_246 = arith.constant 16 : i32
          %mul3A_247 = arith.muli %add3A_90, %mul3A_246 : i32
          %add3A_248 = arith.constant 3 : i32
          %add3A_249 = arith.addi %mul3A_247, %add3A_248 : i32
          %get3A_250 = arith.index_cast %add3A_249 : i32 to index
          %get3A_251 = arith.constant 0 : index
          %get3A_252 = tpu.vector_load %arg10[%get3A_250, %get3A_251] {strides = array<i32>} : memref<128x64xf32, #tpu.memory_space<vmem>>, vector<1x16xf32>,
          %get3A_253 = vector.shape_cast %get3A_252 : vector<1x16xf32> to vector<16xf32>
          %mul3A_254 = vector.broadcast %squeeze3A_245 : f32 to vector<16xf32>
          %mul3A_255 = arith.mulf %get3A_253, %mul3A_254 : vector<16xf32>
          %swap3A_256 = arith.index_cast %add3A_249 : i32 to index
          %swap3A_257 = arith.constant 0 : index
          %swap3A_258 = tpu.vector_load %arg10[%swap3A_256, %swap3A_257] {strides = array<i32>} : memref<128x64xf32, #tpu.memory_space<vmem>>, vector<1x16xf32>,
          %swap3A_259 = vector.shape_cast %swap3A_258 : vector<1x16xf32> to vector<16xf32>
          %swap3A_260 = vector.shape_cast %mul3A_255 : vector<16xf32> to vector<1x16xf32>
          tpu.vector_store %arg10[%swap3A_256, %swap3A_257], %swap3A_260 {strides = array<i32>} : memref<128x64xf32, #tpu.memory_space<vmem>>, vector<1x16xf32>,
          %get3A_261 = arith.index_cast %add3A_249 : i32 to index
          %get3A_262 = arith.constant 16 : index
          %get3A_263 = tpu.vector_load %arg10[%get3A_261, %get3A_262] {strides = array<i32>} : memref<128x64xf32, #tpu.memory_space<vmem>>, vector<1x16xf32>,
          %get3A_264 = vector.shape_cast %get3A_263 : vector<1x16xf32> to vector<16xf32>
          %mul3A_265 = vector.broadcast %squeeze3A_245 : f32 to vector<16xf32>
          %mul3A_266 = arith.mulf %get3A_264, %mul3A_265 : vector<16xf32>
          %swap3A_267 = arith.index_cast %add3A_249 : i32 to index
          %swap3A_268 = arith.constant 16 : index
          %swap3A_269 = tpu.vector_load %arg10[%swap3A_267, %swap3A_268] {strides = array<i32>} : memref<128x64xf32, #tpu.memory_space<vmem>>, vector<1x16xf32>,
          %swap3A_270 = vector.shape_cast %swap3A_269 : vector<1x16xf32> to vector<16xf32>
          %swap3A_271 = vector.shape_cast %mul3A_266 : vector<16xf32> to vector<1x16xf32>
          tpu.vector_store %arg10[%swap3A_267, %swap3A_268], %swap3A_271 {strides = array<i32>} : memref<128x64xf32, #tpu.memory_space<vmem>>, vector<1x16xf32>,
          %get3A_272 = arith.index_cast %add3A_249 : i32 to index
          %get3A_273 = arith.constant 32 : index
          %get3A_274 = tpu.vector_load %arg10[%get3A_272, %get3A_273] {strides = array<i32>} : memref<128x64xf32, #tpu.memory_space<vmem>>, vector<1x16xf32>,
          %get3A_275 = vector.shape_cast %get3A_274 : vector<1x16xf32> to vector<16xf32>
          %mul3A_276 = vector.broadcast %squeeze3A_245 : f32 to vector<16xf32>
          %mul3A_277 = arith.mulf %get3A_275, %mul3A_276 : vector<16xf32>
          %swap3A_278 = arith.index_cast %add3A_249 : i32 to index
          %swap3A_279 = arith.constant 32 : index
          %swap3A_280 = tpu.vector_load %arg10[%swap3A_278, %swap3A_279] {strides = array<i32>} : memref<128x64xf32, #tpu.memory_space<vmem>>, vector<1x16xf32>,
          %swap3A_281 = vector.shape_cast %swap3A_280 : vector<1x16xf32> to vector<16xf32>
          %swap3A_282 = vector.shape_cast %mul3A_277 : vector<16xf32> to vector<1x16xf32>
          tpu.vector_store %arg10[%swap3A_278, %swap3A_279], %swap3A_282 {strides = array<i32>} : memref<128x64xf32, #tpu.memory_space<vmem>>, vector<1x16xf32>,
          %get3A_283 = arith.index_cast %add3A_249 : i32 to index
          %get3A_284 = arith.constant 48 : index
          %get3A_285 = tpu.vector_load %arg10[%get3A_283, %get3A_284] {strides = array<i32>} : memref<128x64xf32, #tpu.memory_space<vmem>>, vector<1x16xf32>,
          %get3A_286 = vector.shape_cast %get3A_285 : vector<1x16xf32> to vector<16xf32>
          %mul3A_287 = vector.broadcast %squeeze3A_245 : f32 to vector<16xf32>
          %mul3A_288 = arith.mulf %get3A_286, %mul3A_287 : vector<16xf32>
          %swap3A_289 = arith.index_cast %add3A_249 : i32 to index
          %swap3A_290 = arith.constant 48 : index
          %swap3A_291 = tpu.vector_load %arg10[%swap3A_289, %swap3A_290] {strides = array<i32>} : memref<128x64xf32, #tpu.memory_space<vmem>>, vector<1x16xf32>,
          %swap3A_292 = vector.shape_cast %swap3A_291 : vector<1x16xf32> to vector<16xf32>
          %swap3A_293 = vector.shape_cast %mul3A_288 : vector<16xf32> to vector<1x16xf32>
          tpu.vector_store %arg10[%swap3A_289, %swap3A_290], %swap3A_293 {strides = array<i32>} : memref<128x64xf32, #tpu.memory_space<vmem>>, vector<1x16xf32>,
          %slice3A_294 = vector.extract_strided_slice %get3A_96 {offsets = [4], sizes = [1], strides = [1]} : vector<16xf32> to vector<1xf32>
          %squeeze3A_295 = vector.extract %slice3A_294[0] : f32 from vector<1xf32>
          %mul3A_296 = arith.constant 16 : i32
          %mul3A_297 = arith.muli %add3A_90, %mul3A_296 : i32
          %add3A_298 = arith.constant 4 : i32
          %add3A_299 = arith.addi %mul3A_297, %add3A_298 : i32
          %get3A_300 = arith.index_cast %add3A_299 : i32 to index
          %get3A_301 = arith.constant 0 : index
          %get3A_302 = tpu.vector_load %arg10[%get3A_300, %get3A_301] {strides = array<i32>} : memref<128x64xf32, #tpu.memory_space<vmem>>, vector<1x16xf32>,
          %get3A_303 = vector.shape_cast %get3A_302 : vector<1x16xf32> to vector<16xf32>
          %mul3A_304 = vector.broadcast %squeeze3A_295 : f32 to vector<16xf32>
          %mul3A_305 = arith.mulf %get3A_303, %mul3A_304 : vector<16xf32>
          %swap3A_306 = arith.index_cast %add3A_299 : i32 to index
          %swap3A_307 = arith.constant 0 : index
          %swap3A_308 = tpu.vector_load %arg10[%swap3A_306, %swap3A_307] {strides = array<i32>} : memref<128x64xf32, #tpu.memory_space<vmem>>, vector<1x16xf32>,
          %swap3A_309 = vector.shape_cast %swap3A_308 : vector<1x16xf32> to vector<16xf32>
          %swap3A_310 = vector.shape_cast %mul3A_305 : vector<16xf32> to vector<1x16xf32>
          tpu.vector_store %arg10[%swap3A_306, %swap3A_307], %swap3A_310 {strides = array<i32>} : memref<128x64xf32, #tpu.memory_space<vmem>>, vector<1x16xf32>,
          %get3A_311 = arith.index_cast %add3A_299 : i32 to index
          %get3A_312 = arith.constant 16 : index
          %get3A_313 = tpu.vector_load %arg10[%get3A_311, %get3A_312] {strides = array<i32>} : memref<128x64xf32, #tpu.memory_space<vmem>>, vector<1x16xf32>,
          %get3A_314 = vector.shape_cast %get3A_313 : vector<1x16xf32> to vector<16xf32>
          %mul3A_315 = vector.broadcast %squeeze3A_295 : f32 to vector<16xf32>
          %mul3A_316 = arith.mulf %get3A_314, %mul3A_315 : vector<16xf32>
          %swap3A_317 = arith.index_cast %add3A_299 : i32 to index
          %swap3A_318 = arith.constant 16 : index
          %swap3A_319 = tpu.vector_load %arg10[%swap3A_317, %swap3A_318] {strides = array<i32>} : memref<128x64xf32, #tpu.memory_space<vmem>>, vector<1x16xf32>,
          %swap3A_320 = vector.shape_cast %swap3A_319 : vector<1x16xf32> to vector<16xf32>
          %swap3A_321 = vector.shape_cast %mul3A_316 : vector<16xf32> to vector<1x16xf32>
          tpu.vector_store %arg10[%swap3A_317, %swap3A_318], %swap3A_321 {strides = array<i32>} : memref<128x64xf32, #tpu.memory_space<vmem>>, vector<1x16xf32>,
          %get3A_322 = arith.index_cast %add3A_299 : i32 to index
          %get3A_323 = arith.constant 32 : index
          %get3A_324 = tpu.vector_load %arg10[%get3A_322, %get3A_323] {strides = array<i32>} : memref<128x64xf32, #tpu.memory_space<vmem>>, vector<1x16xf32>,
          %get3A_325 = vector.shape_cast %get3A_324 : vector<1x16xf32> to vector<16xf32>
          %mul3A_326 = vector.broadcast %squeeze3A_295 : f32 to vector<16xf32>
          %mul3A_327 = arith.mulf %get3A_325, %mul3A_326 : vector<16xf32>
          %swap3A_328 = arith.index_cast %add3A_299 : i32 to index
          %swap3A_329 = arith.constant 32 : index
          %swap3A_330 = tpu.vector_load %arg10[%swap3A_328, %swap3A_329] {strides = array<i32>} : memref<128x64xf32, #tpu.memory_space<vmem>>, vector<1x16xf32>,
          %swap3A_331 = vector.shape_cast %swap3A_330 : vector<1x16xf32> to vector<16xf32>
          %swap3A_332 = vector.shape_cast %mul3A_327 : vector<16xf32> to vector<1x16xf32>
          tpu.vector_store %arg10[%swap3A_328, %swap3A_329], %swap3A_332 {strides = array<i32>} : memref<128x64xf32, #tpu.memory_space<vmem>>, vector<1x16xf32>,
          %get3A_333 = arith.index_cast %add3A_299 : i32 to index
          %get3A_334 = arith.constant 48 : index
          %get3A_335 = tpu.vector_load %arg10[%get3A_333, %get3A_334] {strides = array<i32>} : memref<128x64xf32, #tpu.memory_space<vmem>>, vector<1x16xf32>,
          %get3A_336 = vector.shape_cast %get3A_335 : vector<1x16xf32> to vector<16xf32>
          %mul3A_337 = vector.broadcast %squeeze3A_295 : f32 to vector<16xf32>
          %mul3A_338 = arith.mulf %get3A_336, %mul3A_337 : vector<16xf32>
          %swap3A_339 = arith.index_cast %add3A_299 : i32 to index
          %swap3A_340 = arith.constant 48 : index
          %swap3A_341 = tpu.vector_load %arg10[%swap3A_339, %swap3A_340] {strides = array<i32>} : memref<128x64xf32, #tpu.memory_space<vmem>>, vector<1x16xf32>,
          %swap3A_342 = vector.shape_cast %swap3A_341 : vector<1x16xf32> to vector<16xf32>
          %swap3A_343 = vector.shape_cast %mul3A_338 : vector<16xf32> to vector<1x16xf32>
          tpu.vector_store %arg10[%swap3A_339, %swap3A_340], %swap3A_343 {strides = array<i32>} : memref<128x64xf32, #tpu.memory_space<vmem>>, vector<1x16xf32>,
          %slice3A_344 = vector.extract_strided_slice %get3A_96 {offsets = [5], sizes = [1], strides = [1]} : vector<16xf32> to vector<1xf32>
          %squeeze3A_345 = vector.extract %slice3A_344[0] : f32 from vector<1xf32>
          %mul3A_346 = arith.constant 16 : i32
          %mul3A_347 = arith.muli %add3A_90, %mul3A_346 : i32
          %add3A_348 = arith.constant 5 : i32
          %add3A_349 = arith.addi %mul3A_347, %add3A_348 : i32
          %get3A_350 = arith.index_cast %add3A_349 : i32 to index
          %get3A_351 = arith.constant 0 : index
          %get3A_352 = tpu.vector_load %arg10[%get3A_350, %get3A_351] {strides = array<i32>} : memref<128x64xf32, #tpu.memory_space<vmem>>, vector<1x16xf32>,
          %get3A_353 = vector.shape_cast %get3A_352 : vector<1x16xf32> to vector<16xf32>
          %mul3A_354 = vector.broadcast %squeeze3A_345 : f32 to vector<16xf32>
          %mul3A_355 = arith.mulf %get3A_353, %mul3A_354 : vector<16xf32>
          %swap3A_356 = arith.index_cast %add3A_349 : i32 to index
          %swap3A_357 = arith.constant 0 : index
          %swap3A_358 = tpu.vector_load %arg10[%swap3A_356, %swap3A_357] {strides = array<i32>} : memref<128x64xf32, #tpu.memory_space<vmem>>, vector<1x16xf32>,
          %swap3A_359 = vector.shape_cast %swap3A_358 : vector<1x16xf32> to vector<16xf32>
          %swap3A_360 = vector.shape_cast %mul3A_355 : vector<16xf32> to vector<1x16xf32>
          tpu.vector_store %arg10[%swap3A_356, %swap3A_357], %swap3A_360 {strides = array<i32>} : memref<128x64xf32, #tpu.memory_space<vmem>>, vector<1x16xf32>,
          %get3A_361 = arith.index_cast %add3A_349 : i32 to index
          %get3A_362 = arith.constant 16 : index
          %get3A_363 = tpu.vector_load %arg10[%get3A_361, %get3A_362] {strides = array<i32>} : memref<128x64xf32, #tpu.memory_space<vmem>>, vector<1x16xf32>,
          %get3A_364 = vector.shape_cast %get3A_363 : vector<1x16xf32> to vector<16xf32>
          %mul3A_365 = vector.broadcast %squeeze3A_345 : f32 to vector<16xf32>
          %mul3A_366 = arith.mulf %get3A_364, %mul3A_365 : vector<16xf32>
          %swap3A_367 = arith.index_cast %add3A_349 : i32 to index
          %swap3A_368 = arith.constant 16 : index
          %swap3A_369 = tpu.vector_load %arg10[%swap3A_367, %swap3A_368] {strides = array<i32>} : memref<128x64xf32, #tpu.memory_space<vmem>>, vector<1x16xf32>,
          %swap3A_370 = vector.shape_cast %swap3A_369 : vector<1x16xf32> to vector<16xf32>
          %swap3A_371 = vector.shape_cast %mul3A_366 : vector<16xf32> to vector<1x16xf32>
          tpu.vector_store %arg10[%swap3A_367, %swap3A_368], %swap3A_371 {strides = array<i32>} : memref<128x64xf32, #tpu.memory_space<vmem>>, vector<1x16xf32>,
          %get3A_372 = arith.index_cast %add3A_349 : i32 to index
          %get3A_373 = arith.constant 32 : index
          %get3A_374 = tpu.vector_load %arg10[%get3A_372, %get3A_373] {strides = array<i32>} : memref<128x64xf32, #tpu.memory_space<vmem>>, vector<1x16xf32>,
          %get3A_375 = vector.shape_cast %get3A_374 : vector<1x16xf32> to vector<16xf32>
          %mul3A_376 = vector.broadcast %squeeze3A_345 : f32 to vector<16xf32>
          %mul3A_377 = arith.mulf %get3A_375, %mul3A_376 : vector<16xf32>
          %swap3A_378 = arith.index_cast %add3A_349 : i32 to index
          %swap3A_379 = arith.constant 32 : index
          %swap3A_380 = tpu.vector_load %arg10[%swap3A_378, %swap3A_379] {strides = array<i32>} : memref<128x64xf32, #tpu.memory_space<vmem>>, vector<1x16xf32>,
          %swap3A_381 = vector.shape_cast %swap3A_380 : vector<1x16xf32> to vector<16xf32>
          %swap3A_382 = vector.shape_cast %mul3A_377 : vector<16xf32> to vector<1x16xf32>
          tpu.vector_store %arg10[%swap3A_378, %swap3A_379], %swap3A_382 {strides = array<i32>} : memref<128x64xf32, #tpu.memory_space<vmem>>, vector<1x16xf32>,
          %get3A_383 = arith.index_cast %add3A_349 : i32 to index
          %get3A_384 = arith.constant 48 : index
          %get3A_385 = tpu.vector_load %arg10[%get3A_383, %get3A_384] {strides = array<i32>} : memref<128x64xf32, #tpu.memory_space<vmem>>, vector<1x16xf32>,
          %get3A_386 = vector.shape_cast %get3A_385 : vector<1x16xf32> to vector<16xf32>
          %mul3A_387 = vector.broadcast %squeeze3A_345 : f32 to vector<16xf32>
          %mul3A_388 = arith.mulf %get3A_386, %mul3A_387 : vector<16xf32>
          %swap3A_389 = arith.index_cast %add3A_349 : i32 to index
          %swap3A_390 = arith.constant 48 : index
          %swap3A_391 = tpu.vector_load %arg10[%swap3A_389, %swap3A_390] {strides = array<i32>} : memref<128x64xf32, #tpu.memory_space<vmem>>, vector<1x16xf32>,
          %swap3A_392 = vector.shape_cast %swap3A_391 : vector<1x16xf32> to vector<16xf32>
          %swap3A_393 = vector.shape_cast %mul3A_388 : vector<16xf32> to vector<1x16xf32>
          tpu.vector_store %arg10[%swap3A_389, %swap3A_390], %swap3A_393 {strides = array<i32>} : memref<128x64xf32, #tpu.memory_space<vmem>>, vector<1x16xf32>,
          %slice3A_394 = vector.extract_strided_slice %get3A_96 {offsets = [6], sizes = [1], strides = [1]} : vector<16xf32> to vector<1xf32>
          %squeeze3A_395 = vector.extract %slice3A_394[0] : f32 from vector<1xf32>
          %mul3A_396 = arith.constant 16 : i32
          %mul3A_397 = arith.muli %add3A_90, %mul3A_396 : i32
          %add3A_398 = arith.constant 6 : i32
          %add3A_399 = arith.addi %mul3A_397, %add3A_398 : i32
          %get3A_400 = arith.index_cast %add3A_399 : i32 to index
          %get3A_401 = arith.constant 0 : index
          %get3A_402 = tpu.vector_load %arg10[%get3A_400, %get3A_401] {strides = array<i32>} : memref<128x64xf32, #tpu.memory_space<vmem>>, vector<1x16xf32>,
          %get3A_403 = vector.shape_cast %get3A_402 : vector<1x16xf32> to vector<16xf32>
          %mul3A_404 = vector.broadcast %squeeze3A_395 : f32 to vector<16xf32>
          %mul3A_405 = arith.mulf %get3A_403, %mul3A_404 : vector<16xf32>
          %swap3A_406 = arith.index_cast %add3A_399 : i32 to index
          %swap3A_407 = arith.constant 0 : index
          %swap3A_408 = tpu.vector_load %arg10[%swap3A_406, %swap3A_407] {strides = array<i32>} : memref<128x64xf32, #tpu.memory_space<vmem>>, vector<1x16xf32>,
          %swap3A_409 = vector.shape_cast %swap3A_408 : vector<1x16xf32> to vector<16xf32>
          %swap3A_410 = vector.shape_cast %mul3A_405 : vector<16xf32> to vector<1x16xf32>
          tpu.vector_store %arg10[%swap3A_406, %swap3A_407], %swap3A_410 {strides = array<i32>} : memref<128x64xf32, #tpu.memory_space<vmem>>, vector<1x16xf32>,
          %get3A_411 = arith.index_cast %add3A_399 : i32 to index
          %get3A_412 = arith.constant 16 : index
          %get3A_413 = tpu.vector_load %arg10[%get3A_411, %get3A_412] {strides = array<i32>} : memref<128x64xf32, #tpu.memory_space<vmem>>, vector<1x16xf32>,
          %get3A_414 = vector.shape_cast %get3A_413 : vector<1x16xf32> to vector<16xf32>
          %mul3A_415 = vector.broadcast %squeeze3A_395 : f32 to vector<16xf32>
          %mul3A_416 = arith.mulf %get3A_414, %mul3A_415 : vector<16xf32>
          %swap3A_417 = arith.index_cast %add3A_399 : i32 to index
          %swap3A_418 = arith.constant 16 : index
          %swap3A_419 = tpu.vector_load %arg10[%swap3A_417, %swap3A_418] {strides = array<i32>} : memref<128x64xf32, #tpu.memory_space<vmem>>, vector<1x16xf32>,
          %swap3A_420 = vector.shape_cast %swap3A_419 : vector<1x16xf32> to vector<16xf32>
          %swap3A_421 = vector.shape_cast %mul3A_416 : vector<16xf32> to vector<1x16xf32>
          tpu.vector_store %arg10[%swap3A_417, %swap3A_418], %swap3A_421 {strides = array<i32>} : memref<128x64xf32, #tpu.memory_space<vmem>>, vector<1x16xf32>,
          %get3A_422 = arith.index_cast %add3A_399 : i32 to index
          %get3A_423 = arith.constant 32 : index
          %get3A_424 = tpu.vector_load %arg10[%get3A_422, %get3A_423] {strides = array<i32>} : memref<128x64xf32, #tpu.memory_space<vmem>>, vector<1x16xf32>,
          %get3A_425 = vector.shape_cast %get3A_424 : vector<1x16xf32> to vector<16xf32>
          %mul3A_426 = vector.broadcast %squeeze3A_395 : f32 to vector<16xf32>
          %mul3A_427 = arith.mulf %get3A_425, %mul3A_426 : vector<16xf32>
          %swap3A_428 = arith.index_cast %add3A_399 : i32 to index
          %swap3A_429 = arith.constant 32 : index
          %swap3A_430 = tpu.vector_load %arg10[%swap3A_428, %swap3A_429] {strides = array<i32>} : memref<128x64xf32, #tpu.memory_space<vmem>>, vector<1x16xf32>,
          %swap3A_431 = vector.shape_cast %swap3A_430 : vector<1x16xf32> to vector<16xf32>
          %swap3A_432 = vector.shape_cast %mul3A_427 : vector<16xf32> to vector<1x16xf32>
          tpu.vector_store %arg10[%swap3A_428, %swap3A_429], %swap3A_432 {strides = array<i32>} : memref<128x64xf32, #tpu.memory_space<vmem>>, vector<1x16xf32>,
          %get3A_433 = arith.index_cast %add3A_399 : i32 to index
          %get3A_434 = arith.constant 48 : index
          %get3A_435 = tpu.vector_load %arg10[%get3A_433, %get3A_434] {strides = array<i32>} : memref<128x64xf32, #tpu.memory_space<vmem>>, vector<1x16xf32>,
          %get3A_436 = vector.shape_cast %get3A_435 : vector<1x16xf32> to vector<16xf32>
          %mul3A_437 = vector.broadcast %squeeze3A_395 : f32 to vector<16xf32>
          %mul3A_438 = arith.mulf %get3A_436, %mul3A_437 : vector<16xf32>
          %swap3A_439 = arith.index_cast %add3A_399 : i32 to index
          %swap3A_440 = arith.constant 48 : index
          %swap3A_441 = tpu.vector_load %arg10[%swap3A_439, %swap3A_440] {strides = array<i32>} : memref<128x64xf32, #tpu.memory_space<vmem>>, vector<1x16xf32>,
          %swap3A_442 = vector.shape_cast %swap3A_441 : vector<1x16xf32> to vector<16xf32>
          %swap3A_443 = vector.shape_cast %mul3A_438 : vector<16xf32> to vector<1x16xf32>
          tpu.vector_store %arg10[%swap3A_439, %swap3A_440], %swap3A_443 {strides = array<i32>} : memref<128x64xf32, #tpu.memory_space<vmem>>, vector<1x16xf32>,
          %slice3A_444 = vector.extract_strided_slice %get3A_96 {offsets = [7], sizes = [1], strides = [1]} : vector<16xf32> to vector<1xf32>
          %squeeze3A_445 = vector.extract %slice3A_444[0] : f32 from vector<1xf32>
          %mul3A_446 = arith.constant 16 : i32
          %mul3A_447 = arith.muli %add3A_90, %mul3A_446 : i32
          %add3A_448 = arith.constant 7 : i32
          %add3A_449 = arith.addi %mul3A_447, %add3A_448 : i32
          %get3A_450 = arith.index_cast %add3A_449 : i32 to index
          %get3A_451 = arith.constant 0 : index
          %get3A_452 = tpu.vector_load %arg10[%get3A_450, %get3A_451] {strides = array<i32>} : memref<128x64xf32, #tpu.memory_space<vmem>>, vector<1x16xf32>,
          %get3A_453 = vector.shape_cast %get3A_452 : vector<1x16xf32> to vector<16xf32>
          %mul3A_454 = vector.broadcast %squeeze3A_445 : f32 to vector<16xf32>
          %mul3A_455 = arith.mulf %get3A_453, %mul3A_454 : vector<16xf32>
          %swap3A_456 = arith.index_cast %add3A_449 : i32 to index
          %swap3A_457 = arith.constant 0 : index
          %swap3A_458 = tpu.vector_load %arg10[%swap3A_456, %swap3A_457] {strides = array<i32>} : memref<128x64xf32, #tpu.memory_space<vmem>>, vector<1x16xf32>,
          %swap3A_459 = vector.shape_cast %swap3A_458 : vector<1x16xf32> to vector<16xf32>
          %swap3A_460 = vector.shape_cast %mul3A_455 : vector<16xf32> to vector<1x16xf32>
          tpu.vector_store %arg10[%swap3A_456, %swap3A_457], %swap3A_460 {strides = array<i32>} : memref<128x64xf32, #tpu.memory_space<vmem>>, vector<1x16xf32>,
          %get3A_461 = arith.index_cast %add3A_449 : i32 to index
          %get3A_462 = arith.constant 16 : index
          %get3A_463 = tpu.vector_load %arg10[%get3A_461, %get3A_462] {strides = array<i32>} : memref<128x64xf32, #tpu.memory_space<vmem>>, vector<1x16xf32>,
          %get3A_464 = vector.shape_cast %get3A_463 : vector<1x16xf32> to vector<16xf32>
          %mul3A_465 = vector.broadcast %squeeze3A_445 : f32 to vector<16xf32>
          %mul3A_466 = arith.mulf %get3A_464, %mul3A_465 : vector<16xf32>
          %swap3A_467 = arith.index_cast %add3A_449 : i32 to index
          %swap3A_468 = arith.constant 16 : index
          %swap3A_469 = tpu.vector_load %arg10[%swap3A_467, %swap3A_468] {strides = array<i32>} : memref<128x64xf32, #tpu.memory_space<vmem>>, vector<1x16xf32>,
          %swap3A_470 = vector.shape_cast %swap3A_469 : vector<1x16xf32> to vector<16xf32>
          %swap3A_471 = vector.shape_cast %mul3A_466 : vector<16xf32> to vector<1x16xf32>
          tpu.vector_store %arg10[%swap3A_467, %swap3A_468], %swap3A_471 {strides = array<i32>} : memref<128x64xf32, #tpu.memory_space<vmem>>, vector<1x16xf32>,
          %get3A_472 = arith.index_cast %add3A_449 : i32 to index
          %get3A_473 = arith.constant 32 : index
          %get3A_474 = tpu.vector_load %arg10[%get3A_472, %get3A_473] {strides = array<i32>} : memref<128x64xf32, #tpu.memory_space<vmem>>, vector<1x16xf32>,
          %get3A_475 = vector.shape_cast %get3A_474 : vector<1x16xf32> to vector<16xf32>
          %mul3A_476 = vector.broadcast %squeeze3A_445 : f32 to vector<16xf32>
          %mul3A_477 = arith.mulf %get3A_475, %mul3A_476 : vector<16xf32>
          %swap3A_478 = arith.index_cast %add3A_449 : i32 to index
          %swap3A_479 = arith.constant 32 : index
          %swap3A_480 = tpu.vector_load %arg10[%swap3A_478, %swap3A_479] {strides = array<i32>} : memref<128x64xf32, #tpu.memory_space<vmem>>, vector<1x16xf32>,
          %swap3A_481 = vector.shape_cast %swap3A_480 : vector<1x16xf32> to vector<16xf32>
          %swap3A_482 = vector.shape_cast %mul3A_477 : vector<16xf32> to vector<1x16xf32>
          tpu.vector_store %arg10[%swap3A_478, %swap3A_479], %swap3A_482 {strides = array<i32>} : memref<128x64xf32, #tpu.memory_space<vmem>>, vector<1x16xf32>,
          %get3A_483 = arith.index_cast %add3A_449 : i32 to index
          %get3A_484 = arith.constant 48 : index
          %get3A_485 = tpu.vector_load %arg10[%get3A_483, %get3A_484] {strides = array<i32>} : memref<128x64xf32, #tpu.memory_space<vmem>>, vector<1x16xf32>,
          %get3A_486 = vector.shape_cast %get3A_485 : vector<1x16xf32> to vector<16xf32>
          %mul3A_487 = vector.broadcast %squeeze3A_445 : f32 to vector<16xf32>
          %mul3A_488 = arith.mulf %get3A_486, %mul3A_487 : vector<16xf32>
          %swap3A_489 = arith.index_cast %add3A_449 : i32 to index
          %swap3A_490 = arith.constant 48 : index
          %swap3A_491 = tpu.vector_load %arg10[%swap3A_489, %swap3A_490] {strides = array<i32>} : memref<128x64xf32, #tpu.memory_space<vmem>>, vector<1x16xf32>,
          %swap3A_492 = vector.shape_cast %swap3A_491 : vector<1x16xf32> to vector<16xf32>
          %swap3A_493 = vector.shape_cast %mul3A_488 : vector<16xf32> to vector<1x16xf32>
          tpu.vector_store %arg10[%swap3A_489, %swap3A_490], %swap3A_493 {strides = array<i32>} : memref<128x64xf32, #tpu.memory_space<vmem>>, vector<1x16xf32>,
          %slice3A_494 = vector.extract_strided_slice %get3A_96 {offsets = [8], sizes = [1], strides = [1]} : vector<16xf32> to vector<1xf32>
          %squeeze3A_495 = vector.extract %slice3A_494[0] : f32 from vector<1xf32>
          %mul3A_496 = arith.constant 16 : i32
          %mul3A_497 = arith.muli %add3A_90, %mul3A_496 : i32
          %add3A_498 = arith.constant 8 : i32
          %add3A_499 = arith.addi %mul3A_497, %add3A_498 : i32
          %get3A_500 = arith.index_cast %add3A_499 : i32 to index
          %get3A_501 = arith.constant 0 : index
          %get3A_502 = tpu.vector_load %arg10[%get3A_500, %get3A_501] {strides = array<i32>} : memref<128x64xf32, #tpu.memory_space<vmem>>, vector<1x16xf32>,
          %get3A_503 = vector.shape_cast %get3A_502 : vector<1x16xf32> to vector<16xf32>
          %mul3A_504 = vector.broadcast %squeeze3A_495 : f32 to vector<16xf32>
          %mul3A_505 = arith.mulf %get3A_503, %mul3A_504 : vector<16xf32>
          %swap3A_506 = arith.index_cast %add3A_499 : i32 to index
          %swap3A_507 = arith.constant 0 : index
          %swap3A_508 = tpu.vector_load %arg10[%swap3A_506, %swap3A_507] {strides = array<i32>} : memref<128x64xf32, #tpu.memory_space<vmem>>, vector<1x16xf32>,
          %swap3A_509 = vector.shape_cast %swap3A_508 : vector<1x16xf32> to vector<16xf32>
          %swap3A_510 = vector.shape_cast %mul3A_505 : vector<16xf32> to vector<1x16xf32>
          tpu.vector_store %arg10[%swap3A_506, %swap3A_507], %swap3A_510 {strides = array<i32>} : memref<128x64xf32, #tpu.memory_space<vmem>>, vector<1x16xf32>,
          %get3A_511 = arith.index_cast %add3A_499 : i32 to index
          %get3A_512 = arith.constant 16 : index
          %get3A_513 = tpu.vector_load %arg10[%get3A_511, %get3A_512] {strides = array<i32>} : memref<128x64xf32, #tpu.memory_space<vmem>>, vector<1x16xf32>,
          %get3A_514 = vector.shape_cast %get3A_513 : vector<1x16xf32> to vector<16xf32>
          %mul3A_515 = vector.broadcast %squeeze3A_495 : f32 to vector<16xf32>
          %mul3A_516 = arith.mulf %get3A_514, %mul3A_515 : vector<16xf32>
          %swap3A_517 = arith.index_cast %add3A_499 : i32 to index
          %swap3A_518 = arith.constant 16 : index
          %swap3A_519 = tpu.vector_load %arg10[%swap3A_517, %swap3A_518] {strides = array<i32>} : memref<128x64xf32, #tpu.memory_space<vmem>>, vector<1x16xf32>,
          %swap3A_520 = vector.shape_cast %swap3A_519 : vector<1x16xf32> to vector<16xf32>
          %swap3A_521 = vector.shape_cast %mul3A_516 : vector<16xf32> to vector<1x16xf32>
          tpu.vector_store %arg10[%swap3A_517, %swap3A_518], %swap3A_521 {strides = array<i32>} : memref<128x64xf32, #tpu.memory_space<vmem>>, vector<1x16xf32>,
          %get3A_522 = arith.index_cast %add3A_499 : i32 to index
          %get3A_523 = arith.constant 32 : index
          %get3A_524 = tpu.vector_load %arg10[%get3A_522, %get3A_523] {strides = array<i32>} : memref<128x64xf32, #tpu.memory_space<vmem>>, vector<1x16xf32>,
          %get3A_525 = vector.shape_cast %get3A_524 : vector<1x16xf32> to vector<16xf32>
          %mul3A_526 = vector.broadcast %squeeze3A_495 : f32 to vector<16xf32>
          %mul3A_527 = arith.mulf %get3A_525, %mul3A_526 : vector<16xf32>
          %swap3A_528 = arith.index_cast %add3A_499 : i32 to index
          %swap3A_529 = arith.constant 32 : index
          %swap3A_530 = tpu.vector_load %arg10[%swap3A_528, %swap3A_529] {strides = array<i32>} : memref<128x64xf32, #tpu.memory_space<vmem>>, vector<1x16xf32>,
          %swap3A_531 = vector.shape_cast %swap3A_530 : vector<1x16xf32> to vector<16xf32>
          %swap3A_532 = vector.shape_cast %mul3A_527 : vector<16xf32> to vector<1x16xf32>
          tpu.vector_store %arg10[%swap3A_528, %swap3A_529], %swap3A_532 {strides = array<i32>} : memref<128x64xf32, #tpu.memory_space<vmem>>, vector<1x16xf32>,
          %get3A_533 = arith.index_cast %add3A_499 : i32 to index
          %get3A_534 = arith.constant 48 : index
          %get3A_535 = tpu.vector_load %arg10[%get3A_533, %get3A_534] {strides = array<i32>} : memref<128x64xf32, #tpu.memory_space<vmem>>, vector<1x16xf32>,
          %get3A_536 = vector.shape_cast %get3A_535 : vector<1x16xf32> to vector<16xf32>
          %mul3A_537 = vector.broadcast %squeeze3A_495 : f32 to vector<16xf32>
          %mul3A_538 = arith.mulf %get3A_536, %mul3A_537 : vector<16xf32>
          %swap3A_539 = arith.index_cast %add3A_499 : i32 to index
          %swap3A_540 = arith.constant 48 : index
          %swap3A_541 = tpu.vector_load %arg10[%swap3A_539, %swap3A_540] {strides = array<i32>} : memref<128x64xf32, #tpu.memory_space<vmem>>, vector<1x16xf32>,
          %swap3A_542 = vector.shape_cast %swap3A_541 : vector<1x16xf32> to vector<16xf32>
          %swap3A_543 = vector.shape_cast %mul3A_538 : vector<16xf32> to vector<1x16xf32>
          tpu.vector_store %arg10[%swap3A_539, %swap3A_540], %swap3A_543 {strides = array<i32>} : memref<128x64xf32, #tpu.memory_space<vmem>>, vector<1x16xf32>,
          %slice3A_544 = vector.extract_strided_slice %get3A_96 {offsets = [9], sizes = [1], strides = [1]} : vector<16xf32> to vector<1xf32>
          %squeeze3A_545 = vector.extract %slice3A_544[0] : f32 from vector<1xf32>
          %mul3A_546 = arith.constant 16 : i32
          %mul3A_547 = arith.muli %add3A_90, %mul3A_546 : i32
          %add3A_548 = arith.constant 9 : i32
          %add3A_549 = arith.addi %mul3A_547, %add3A_548 : i32
          %get3A_550 = arith.index_cast %add3A_549 : i32 to index
          %get3A_551 = arith.constant 0 : index
          %get3A_552 = tpu.vector_load %arg10[%get3A_550, %get3A_551] {strides = array<i32>} : memref<128x64xf32, #tpu.memory_space<vmem>>, vector<1x16xf32>,
          %get3A_553 = vector.shape_cast %get3A_552 : vector<1x16xf32> to vector<16xf32>
          %mul3A_554 = vector.broadcast %squeeze3A_545 : f32 to vector<16xf32>
          %mul3A_555 = arith.mulf %get3A_553, %mul3A_554 : vector<16xf32>
          %swap3A_556 = arith.index_cast %add3A_549 : i32 to index
          %swap3A_557 = arith.constant 0 : index
          %swap3A_558 = tpu.vector_load %arg10[%swap3A_556, %swap3A_557] {strides = array<i32>} : memref<128x64xf32, #tpu.memory_space<vmem>>, vector<1x16xf32>,
          %swap3A_559 = vector.shape_cast %swap3A_558 : vector<1x16xf32> to vector<16xf32>
          %swap3A_560 = vector.shape_cast %mul3A_555 : vector<16xf32> to vector<1x16xf32>
          tpu.vector_store %arg10[%swap3A_556, %swap3A_557], %swap3A_560 {strides = array<i32>} : memref<128x64xf32, #tpu.memory_space<vmem>>, vector<1x16xf32>,
          %get3A_561 = arith.index_cast %add3A_549 : i32 to index
          %get3A_562 = arith.constant 16 : index
          %get3A_563 = tpu.vector_load %arg10[%get3A_561, %get3A_562] {strides = array<i32>} : memref<128x64xf32, #tpu.memory_space<vmem>>, vector<1x16xf32>,
          %get3A_564 = vector.shape_cast %get3A_563 : vector<1x16xf32> to vector<16xf32>
          %mul3A_565 = vector.broadcast %squeeze3A_545 : f32 to vector<16xf32>
          %mul3A_566 = arith.mulf %get3A_564, %mul3A_565 : vector<16xf32>
          %swap3A_567 = arith.index_cast %add3A_549 : i32 to index
          %swap3A_568 = arith.constant 16 : index
          %swap3A_569 = tpu.vector_load %arg10[%swap3A_567, %swap3A_568] {strides = array<i32>} : memref<128x64xf32, #tpu.memory_space<vmem>>, vector<1x16xf32>,
          %swap3A_570 = vector.shape_cast %swap3A_569 : vector<1x16xf32> to vector<16xf32>
          %swap3A_571 = vector.shape_cast %mul3A_566 : vector<16xf32> to vector<1x16xf32>
          tpu.vector_store %arg10[%swap3A_567, %swap3A_568], %swap3A_571 {strides = array<i32>} : memref<128x64xf32, #tpu.memory_space<vmem>>, vector<1x16xf32>,
          %get3A_572 = arith.index_cast %add3A_549 : i32 to index
          %get3A_573 = arith.constant 32 : index
          %get3A_574 = tpu.vector_load %arg10[%get3A_572, %get3A_573] {strides = array<i32>} : memref<128x64xf32, #tpu.memory_space<vmem>>, vector<1x16xf32>,
          %get3A_575 = vector.shape_cast %get3A_574 : vector<1x16xf32> to vector<16xf32>
          %mul3A_576 = vector.broadcast %squeeze3A_545 : f32 to vector<16xf32>
          %mul3A_577 = arith.mulf %get3A_575, %mul3A_576 : vector<16xf32>
          %swap3A_578 = arith.index_cast %add3A_549 : i32 to index
          %swap3A_579 = arith.constant 32 : index
          %swap3A_580 = tpu.vector_load %arg10[%swap3A_578, %swap3A_579] {strides = array<i32>} : memref<128x64xf32, #tpu.memory_space<vmem>>, vector<1x16xf32>,
          %swap3A_581 = vector.shape_cast %swap3A_580 : vector<1x16xf32> to vector<16xf32>
          %swap3A_582 = vector.shape_cast %mul3A_577 : vector<16xf32> to vector<1x16xf32>
          tpu.vector_store %arg10[%swap3A_578, %swap3A_579], %swap3A_582 {strides = array<i32>} : memref<128x64xf32, #tpu.memory_space<vmem>>, vector<1x16xf32>,
          %get3A_583 = arith.index_cast %add3A_549 : i32 to index
          %get3A_584 = arith.constant 48 : index
          %get3A_585 = tpu.vector_load %arg10[%get3A_583, %get3A_584] {strides = array<i32>} : memref<128x64xf32, #tpu.memory_space<vmem>>, vector<1x16xf32>,
          %get3A_586 = vector.shape_cast %get3A_585 : vector<1x16xf32> to vector<16xf32>
          %mul3A_587 = vector.broadcast %squeeze3A_545 : f32 to vector<16xf32>
          %mul3A_588 = arith.mulf %get3A_586, %mul3A_587 : vector<16xf32>
          %swap3A_589 = arith.index_cast %add3A_549 : i32 to index
          %swap3A_590 = arith.constant 48 : index
          %swap3A_591 = tpu.vector_load %arg10[%swap3A_589, %swap3A_590] {strides = array<i32>} : memref<128x64xf32, #tpu.memory_space<vmem>>, vector<1x16xf32>,
          %swap3A_592 = vector.shape_cast %swap3A_591 : vector<1x16xf32> to vector<16xf32>
          %swap3A_593 = vector.shape_cast %mul3A_588 : vector<16xf32> to vector<1x16xf32>
          tpu.vector_store %arg10[%swap3A_589, %swap3A_590], %swap3A_593 {strides = array<i32>} : memref<128x64xf32, #tpu.memory_space<vmem>>, vector<1x16xf32>,
          %slice3A_594 = vector.extract_strided_slice %get3A_96 {offsets = [10], sizes = [1], strides = [1]} : vector<16xf32> to vector<1xf32>
          %squeeze3A_595 = vector.extract %slice3A_594[0] : f32 from vector<1xf32>
          %mul3A_596 = arith.constant 16 : i32
          %mul3A_597 = arith.muli %add3A_90, %mul3A_596 : i32
          %add3A_598 = arith.constant 10 : i32
          %add3A_599 = arith.addi %mul3A_597, %add3A_598 : i32
          %get3A_600 = arith.index_cast %add3A_599 : i32 to index
          %get3A_601 = arith.constant 0 : index
          %get3A_602 = tpu.vector_load %arg10[%get3A_600, %get3A_601] {strides = array<i32>} : memref<128x64xf32, #tpu.memory_space<vmem>>, vector<1x16xf32>,
          %get3A_603 = vector.shape_cast %get3A_602 : vector<1x16xf32> to vector<16xf32>
          %mul3A_604 = vector.broadcast %squeeze3A_595 : f32 to vector<16xf32>
          %mul3A_605 = arith.mulf %get3A_603, %mul3A_604 : vector<16xf32>
          %swap3A_606 = arith.index_cast %add3A_599 : i32 to index
          %swap3A_607 = arith.constant 0 : index
          %swap3A_608 = tpu.vector_load %arg10[%swap3A_606, %swap3A_607] {strides = array<i32>} : memref<128x64xf32, #tpu.memory_space<vmem>>, vector<1x16xf32>,
          %swap3A_609 = vector.shape_cast %swap3A_608 : vector<1x16xf32> to vector<16xf32>
          %swap3A_610 = vector.shape_cast %mul3A_605 : vector<16xf32> to vector<1x16xf32>
          tpu.vector_store %arg10[%swap3A_606, %swap3A_607], %swap3A_610 {strides = array<i32>} : memref<128x64xf32, #tpu.memory_space<vmem>>, vector<1x16xf32>,
          %get3A_611 = arith.index_cast %add3A_599 : i32 to index
          %get3A_612 = arith.constant 16 : index
          %get3A_613 = tpu.vector_load %arg10[%get3A_611, %get3A_612] {strides = array<i32>} : memref<128x64xf32, #tpu.memory_space<vmem>>, vector<1x16xf32>,
          %get3A_614 = vector.shape_cast %get3A_613 : vector<1x16xf32> to vector<16xf32>
          %mul3A_615 = vector.broadcast %squeeze3A_595 : f32 to vector<16xf32>
          %mul3A_616 = arith.mulf %get3A_614, %mul3A_615 : vector<16xf32>
          %swap3A_617 = arith.index_cast %add3A_599 : i32 to index
          %swap3A_618 = arith.constant 16 : index
          %swap3A_619 = tpu.vector_load %arg10[%swap3A_617, %swap3A_618] {strides = array<i32>} : memref<128x64xf32, #tpu.memory_space<vmem>>, vector<1x16xf32>,
          %swap3A_620 = vector.shape_cast %swap3A_619 : vector<1x16xf32> to vector<16xf32>
          %swap3A_621 = vector.shape_cast %mul3A_616 : vector<16xf32> to vector<1x16xf32>
          tpu.vector_store %arg10[%swap3A_617, %swap3A_618], %swap3A_621 {strides = array<i32>} : memref<128x64xf32, #tpu.memory_space<vmem>>, vector<1x16xf32>,
          %get3A_622 = arith.index_cast %add3A_599 : i32 to index
          %get3A_623 = arith.constant 32 : index
          %get3A_624 = tpu.vector_load %arg10[%get3A_622, %get3A_623] {strides = array<i32>} : memref<128x64xf32, #tpu.memory_space<vmem>>, vector<1x16xf32>,
          %get3A_625 = vector.shape_cast %get3A_624 : vector<1x16xf32> to vector<16xf32>
          %mul3A_626 = vector.broadcast %squeeze3A_595 : f32 to vector<16xf32>
          %mul3A_627 = arith.mulf %get3A_625, %mul3A_626 : vector<16xf32>
          %swap3A_628 = arith.index_cast %add3A_599 : i32 to index
          %swap3A_629 = arith.constant 32 : index
          %swap3A_630 = tpu.vector_load %arg10[%swap3A_628, %swap3A_629] {strides = array<i32>} : memref<128x64xf32, #tpu.memory_space<vmem>>, vector<1x16xf32>,
          %swap3A_631 = vector.shape_cast %swap3A_630 : vector<1x16xf32> to vector<16xf32>
          %swap3A_632 = vector.shape_cast %mul3A_627 : vector<16xf32> to vector<1x16xf32>
          tpu.vector_store %arg10[%swap3A_628, %swap3A_629], %swap3A_632 {strides = array<i32>} : memref<128x64xf32, #tpu.memory_space<vmem>>, vector<1x16xf32>,
          %get3A_633 = arith.index_cast %add3A_599 : i32 to index
          %get3A_634 = arith.constant 48 : index
          %get3A_635 = tpu.vector_load %arg10[%get3A_633, %get3A_634] {strides = array<i32>} : memref<128x64xf32, #tpu.memory_space<vmem>>, vector<1x16xf32>,
          %get3A_636 = vector.shape_cast %get3A_635 : vector<1x16xf32> to vector<16xf32>
          %mul3A_637 = vector.broadcast %squeeze3A_595 : f32 to vector<16xf32>
          %mul3A_638 = arith.mulf %get3A_636, %mul3A_637 : vector<16xf32>
          %swap3A_639 = arith.index_cast %add3A_599 : i32 to index
          %swap3A_640 = arith.constant 48 : index
          %swap3A_641 = tpu.vector_load %arg10[%swap3A_639, %swap3A_640] {strides = array<i32>} : memref<128x64xf32, #tpu.memory_space<vmem>>, vector<1x16xf32>,
          %swap3A_642 = vector.shape_cast %swap3A_641 : vector<1x16xf32> to vector<16xf32>
          %swap3A_643 = vector.shape_cast %mul3A_638 : vector<16xf32> to vector<1x16xf32>
          tpu.vector_store %arg10[%swap3A_639, %swap3A_640], %swap3A_643 {strides = array<i32>} : memref<128x64xf32, #tpu.memory_space<vmem>>, vector<1x16xf32>,
          %slice3A_644 = vector.extract_strided_slice %get3A_96 {offsets = [11], sizes = [1], strides = [1]} : vector<16xf32> to vector<1xf32>
          %squeeze3A_645 = vector.extract %slice3A_644[0] : f32 from vector<1xf32>
          %mul3A_646 = arith.constant 16 : i32
          %mul3A_647 = arith.muli %add3A_90, %mul3A_646 : i32
          %add3A_648 = arith.constant 11 : i32
          %add3A_649 = arith.addi %mul3A_647, %add3A_648 : i32
          %get3A_650 = arith.index_cast %add3A_649 : i32 to index
          %get3A_651 = arith.constant 0 : index
          %get3A_652 = tpu.vector_load %arg10[%get3A_650, %get3A_651] {strides = array<i32>} : memref<128x64xf32, #tpu.memory_space<vmem>>, vector<1x16xf32>,
          %get3A_653 = vector.shape_cast %get3A_652 : vector<1x16xf32> to vector<16xf32>
          %mul3A_654 = vector.broadcast %squeeze3A_645 : f32 to vector<16xf32>
          %mul3A_655 = arith.mulf %get3A_653, %mul3A_654 : vector<16xf32>
          %swap3A_656 = arith.index_cast %add3A_649 : i32 to index
          %swap3A_657 = arith.constant 0 : index
          %swap3A_658 = tpu.vector_load %arg10[%swap3A_656, %swap3A_657] {strides = array<i32>} : memref<128x64xf32, #tpu.memory_space<vmem>>, vector<1x16xf32>,
          %swap3A_659 = vector.shape_cast %swap3A_658 : vector<1x16xf32> to vector<16xf32>
          %swap3A_660 = vector.shape_cast %mul3A_655 : vector<16xf32> to vector<1x16xf32>
          tpu.vector_store %arg10[%swap3A_656, %swap3A_657], %swap3A_660 {strides = array<i32>} : memref<128x64xf32, #tpu.memory_space<vmem>>, vector<1x16xf32>,
          %get3A_661 = arith.index_cast %add3A_649 : i32 to index
          %get3A_662 = arith.constant 16 : index
          %get3A_663 = tpu.vector_load %arg10[%get3A_661, %get3A_662] {strides = array<i32>} : memref<128x64xf32, #tpu.memory_space<vmem>>, vector<1x16xf32>,
          %get3A_664 = vector.shape_cast %get3A_663 : vector<1x16xf32> to vector<16xf32>
          %mul3A_665 = vector.broadcast %squeeze3A_645 : f32 to vector<16xf32>
          %mul3A_666 = arith.mulf %get3A_664, %mul3A_665 : vector<16xf32>
          %swap3A_667 = arith.index_cast %add3A_649 : i32 to index
          %swap3A_668 = arith.constant 16 : index
          %swap3A_669 = tpu.vector_load %arg10[%swap3A_667, %swap3A_668] {strides = array<i32>} : memref<128x64xf32, #tpu.memory_space<vmem>>, vector<1x16xf32>,
          %swap3A_670 = vector.shape_cast %swap3A_669 : vector<1x16xf32> to vector<16xf32>
          %swap3A_671 = vector.shape_cast %mul3A_666 : vector<16xf32> to vector<1x16xf32>
          tpu.vector_store %arg10[%swap3A_667, %swap3A_668], %swap3A_671 {strides = array<i32>} : memref<128x64xf32, #tpu.memory_space<vmem>>, vector<1x16xf32>,
          %get3A_672 = arith.index_cast %add3A_649 : i32 to index
          %get3A_673 = arith.constant 32 : index
          %get3A_674 = tpu.vector_load %arg10[%get3A_672, %get3A_673] {strides = array<i32>} : memref<128x64xf32, #tpu.memory_space<vmem>>, vector<1x16xf32>,
          %get3A_675 = vector.shape_cast %get3A_674 : vector<1x16xf32> to vector<16xf32>
          %mul3A_676 = vector.broadcast %squeeze3A_645 : f32 to vector<16xf32>
          %mul3A_677 = arith.mulf %get3A_675, %mul3A_676 : vector<16xf32>
          %swap3A_678 = arith.index_cast %add3A_649 : i32 to index
          %swap3A_679 = arith.constant 32 : index
          %swap3A_680 = tpu.vector_load %arg10[%swap3A_678, %swap3A_679] {strides = array<i32>} : memref<128x64xf32, #tpu.memory_space<vmem>>, vector<1x16xf32>,
          %swap3A_681 = vector.shape_cast %swap3A_680 : vector<1x16xf32> to vector<16xf32>
          %swap3A_682 = vector.shape_cast %mul3A_677 : vector<16xf32> to vector<1x16xf32>
          tpu.vector_store %arg10[%swap3A_678, %swap3A_679], %swap3A_682 {strides = array<i32>} : memref<128x64xf32, #tpu.memory_space<vmem>>, vector<1x16xf32>,
          %get3A_683 = arith.index_cast %add3A_649 : i32 to index
          %get3A_684 = arith.constant 48 : index
          %get3A_685 = tpu.vector_load %arg10[%get3A_683, %get3A_684] {strides = array<i32>} : memref<128x64xf32, #tpu.memory_space<vmem>>, vector<1x16xf32>,
          %get3A_686 = vector.shape_cast %get3A_685 : vector<1x16xf32> to vector<16xf32>
          %mul3A_687 = vector.broadcast %squeeze3A_645 : f32 to vector<16xf32>
          %mul3A_688 = arith.mulf %get3A_686, %mul3A_687 : vector<16xf32>
          %swap3A_689 = arith.index_cast %add3A_649 : i32 to index
          %swap3A_690 = arith.constant 48 : index
          %swap3A_691 = tpu.vector_load %arg10[%swap3A_689, %swap3A_690] {strides = array<i32>} : memref<128x64xf32, #tpu.memory_space<vmem>>, vector<1x16xf32>,
          %swap3A_692 = vector.shape_cast %swap3A_691 : vector<1x16xf32> to vector<16xf32>
          %swap3A_693 = vector.shape_cast %mul3A_688 : vector<16xf32> to vector<1x16xf32>
          tpu.vector_store %arg10[%swap3A_689, %swap3A_690], %swap3A_693 {strides = array<i32>} : memref<128x64xf32, #tpu.memory_space<vmem>>, vector<1x16xf32>,
          %slice3A_694 = vector.extract_strided_slice %get3A_96 {offsets = [12], sizes = [1], strides = [1]} : vector<16xf32> to vector<1xf32>
          %squeeze3A_695 = vector.extract %slice3A_694[0] : f32 from vector<1xf32>
          %mul3A_696 = arith.constant 16 : i32
          %mul3A_697 = arith.muli %add3A_90, %mul3A_696 : i32
          %add3A_698 = arith.constant 12 : i32
          %add3A_699 = arith.addi %mul3A_697, %add3A_698 : i32
          %get3A_700 = arith.index_cast %add3A_699 : i32 to index
          %get3A_701 = arith.constant 0 : index
          %get3A_702 = tpu.vector_load %arg10[%get3A_700, %get3A_701] {strides = array<i32>} : memref<128x64xf32, #tpu.memory_space<vmem>>, vector<1x16xf32>,
          %get3A_703 = vector.shape_cast %get3A_702 : vector<1x16xf32> to vector<16xf32>
          %mul3A_704 = vector.broadcast %squeeze3A_695 : f32 to vector<16xf32>
          %mul3A_705 = arith.mulf %get3A_703, %mul3A_704 : vector<16xf32>
          %swap3A_706 = arith.index_cast %add3A_699 : i32 to index
          %swap3A_707 = arith.constant 0 : index
          %swap3A_708 = tpu.vector_load %arg10[%swap3A_706, %swap3A_707] {strides = array<i32>} : memref<128x64xf32, #tpu.memory_space<vmem>>, vector<1x16xf32>,
          %swap3A_709 = vector.shape_cast %swap3A_708 : vector<1x16xf32> to vector<16xf32>
          %swap3A_710 = vector.shape_cast %mul3A_705 : vector<16xf32> to vector<1x16xf32>
          tpu.vector_store %arg10[%swap3A_706, %swap3A_707], %swap3A_710 {strides = array<i32>} : memref<128x64xf32, #tpu.memory_space<vmem>>, vector<1x16xf32>,
          %get3A_711 = arith.index_cast %add3A_699 : i32 to index
          %get3A_712 = arith.constant 16 : index
          %get3A_713 = tpu.vector_load %arg10[%get3A_711, %get3A_712] {strides = array<i32>} : memref<128x64xf32, #tpu.memory_space<vmem>>, vector<1x16xf32>,
          %get3A_714 = vector.shape_cast %get3A_713 : vector<1x16xf32> to vector<16xf32>
          %mul3A_715 = vector.broadcast %squeeze3A_695 : f32 to vector<16xf32>
          %mul3A_716 = arith.mulf %get3A_714, %mul3A_715 : vector<16xf32>
          %swap3A_717 = arith.index_cast %add3A_699 : i32 to index
          %swap3A_718 = arith.constant 16 : index
          %swap3A_719 = tpu.vector_load %arg10[%swap3A_717, %swap3A_718] {strides = array<i32>} : memref<128x64xf32, #tpu.memory_space<vmem>>, vector<1x16xf32>,
          %swap3A_720 = vector.shape_cast %swap3A_719 : vector<1x16xf32> to vector<16xf32>
          %swap3A_721 = vector.shape_cast %mul3A_716 : vector<16xf32> to vector<1x16xf32>
          tpu.vector_store %arg10[%swap3A_717, %swap3A_718], %swap3A_721 {strides = array<i32>} : memref<128x64xf32, #tpu.memory_space<vmem>>, vector<1x16xf32>,
          %get3A_722 = arith.index_cast %add3A_699 : i32 to index
          %get3A_723 = arith.constant 32 : index
          %get3A_724 = tpu.vector_load %arg10[%get3A_722, %get3A_723] {strides = array<i32>} : memref<128x64xf32, #tpu.memory_space<vmem>>, vector<1x16xf32>,
          %get3A_725 = vector.shape_cast %get3A_724 : vector<1x16xf32> to vector<16xf32>
          %mul3A_726 = vector.broadcast %squeeze3A_695 : f32 to vector<16xf32>
          %mul3A_727 = arith.mulf %get3A_725, %mul3A_726 : vector<16xf32>
          %swap3A_728 = arith.index_cast %add3A_699 : i32 to index
          %swap3A_729 = arith.constant 32 : index
          %swap3A_730 = tpu.vector_load %arg10[%swap3A_728, %swap3A_729] {strides = array<i32>} : memref<128x64xf32, #tpu.memory_space<vmem>>, vector<1x16xf32>,
          %swap3A_731 = vector.shape_cast %swap3A_730 : vector<1x16xf32> to vector<16xf32>
          %swap3A_732 = vector.shape_cast %mul3A_727 : vector<16xf32> to vector<1x16xf32>
          tpu.vector_store %arg10[%swap3A_728, %swap3A_729], %swap3A_732 {strides = array<i32>} : memref<128x64xf32, #tpu.memory_space<vmem>>, vector<1x16xf32>,
          %get3A_733 = arith.index_cast %add3A_699 : i32 to index
          %get3A_734 = arith.constant 48 : index
          %get3A_735 = tpu.vector_load %arg10[%get3A_733, %get3A_734] {strides = array<i32>} : memref<128x64xf32, #tpu.memory_space<vmem>>, vector<1x16xf32>,
          %get3A_736 = vector.shape_cast %get3A_735 : vector<1x16xf32> to vector<16xf32>
          %mul3A_737 = vector.broadcast %squeeze3A_695 : f32 to vector<16xf32>
          %mul3A_738 = arith.mulf %get3A_736, %mul3A_737 : vector<16xf32>
          %swap3A_739 = arith.index_cast %add3A_699 : i32 to index
          %swap3A_740 = arith.constant 48 : index
          %swap3A_741 = tpu.vector_load %arg10[%swap3A_739, %swap3A_740] {strides = array<i32>} : memref<128x64xf32, #tpu.memory_space<vmem>>, vector<1x16xf32>,
          %swap3A_742 = vector.shape_cast %swap3A_741 : vector<1x16xf32> to vector<16xf32>
          %swap3A_743 = vector.shape_cast %mul3A_738 : vector<16xf32> to vector<1x16xf32>
          tpu.vector_store %arg10[%swap3A_739, %swap3A_740], %swap3A_743 {strides = array<i32>} : memref<128x64xf32, #tpu.memory_space<vmem>>, vector<1x16xf32>,
          %slice3A_744 = vector.extract_strided_slice %get3A_96 {offsets = [13], sizes = [1], strides = [1]} : vector<16xf32> to vector<1xf32>
          %squeeze3A_745 = vector.extract %slice3A_744[0] : f32 from vector<1xf32>
          %mul3A_746 = arith.constant 16 : i32
          %mul3A_747 = arith.muli %add3A_90, %mul3A_746 : i32
          %add3A_748 = arith.constant 13 : i32
          %add3A_749 = arith.addi %mul3A_747, %add3A_748 : i32
          %get3A_750 = arith.index_cast %add3A_749 : i32 to index
          %get3A_751 = arith.constant 0 : index
          %get3A_752 = tpu.vector_load %arg10[%get3A_750, %get3A_751] {strides = array<i32>} : memref<128x64xf32, #tpu.memory_space<vmem>>, vector<1x16xf32>,
          %get3A_753 = vector.shape_cast %get3A_752 : vector<1x16xf32> to vector<16xf32>
          %mul3A_754 = vector.broadcast %squeeze3A_745 : f32 to vector<16xf32>
          %mul3A_755 = arith.mulf %get3A_753, %mul3A_754 : vector<16xf32>
          %swap3A_756 = arith.index_cast %add3A_749 : i32 to index
          %swap3A_757 = arith.constant 0 : index
          %swap3A_758 = tpu.vector_load %arg10[%swap3A_756, %swap3A_757] {strides = array<i32>} : memref<128x64xf32, #tpu.memory_space<vmem>>, vector<1x16xf32>,
          %swap3A_759 = vector.shape_cast %swap3A_758 : vector<1x16xf32> to vector<16xf32>
          %swap3A_760 = vector.shape_cast %mul3A_755 : vector<16xf32> to vector<1x16xf32>
          tpu.vector_store %arg10[%swap3A_756, %swap3A_757], %swap3A_760 {strides = array<i32>} : memref<128x64xf32, #tpu.memory_space<vmem>>, vector<1x16xf32>,
          %get3A_761 = arith.index_cast %add3A_749 : i32 to index
          %get3A_762 = arith.constant 16 : index
          %get3A_763 = tpu.vector_load %arg10[%get3A_761, %get3A_762] {strides = array<i32>} : memref<128x64xf32, #tpu.memory_space<vmem>>, vector<1x16xf32>,
          %get3A_764 = vector.shape_cast %get3A_763 : vector<1x16xf32> to vector<16xf32>
          %mul3A_765 = vector.broadcast %squeeze3A_745 : f32 to vector<16xf32>
          %mul3A_766 = arith.mulf %get3A_764, %mul3A_765 : vector<16xf32>
          %swap3A_767 = arith.index_cast %add3A_749 : i32 to index
          %swap3A_768 = arith.constant 16 : index
          %swap3A_769 = tpu.vector_load %arg10[%swap3A_767, %swap3A_768] {strides = array<i32>} : memref<128x64xf32, #tpu.memory_space<vmem>>, vector<1x16xf32>,
          %swap3A_770 = vector.shape_cast %swap3A_769 : vector<1x16xf32> to vector<16xf32>
          %swap3A_771 = vector.shape_cast %mul3A_766 : vector<16xf32> to vector<1x16xf32>
          tpu.vector_store %arg10[%swap3A_767, %swap3A_768], %swap3A_771 {strides = array<i32>} : memref<128x64xf32, #tpu.memory_space<vmem>>, vector<1x16xf32>,
          %get3A_772 = arith.index_cast %add3A_749 : i32 to index
          %get3A_773 = arith.constant 32 : index
          %get3A_774 = tpu.vector_load %arg10[%get3A_772, %get3A_773] {strides = array<i32>} : memref<128x64xf32, #tpu.memory_space<vmem>>, vector<1x16xf32>,
          %get3A_775 = vector.shape_cast %get3A_774 : vector<1x16xf32> to vector<16xf32>
          %mul3A_776 = vector.broadcast %squeeze3A_745 : f32 to vector<16xf32>
          %mul3A_777 = arith.mulf %get3A_775, %mul3A_776 : vector<16xf32>
          %swap3A_778 = arith.index_cast %add3A_749 : i32 to index
          %swap3A_779 = arith.constant 32 : index
          %swap3A_780 = tpu.vector_load %arg10[%swap3A_778, %swap3A_779] {strides = array<i32>} : memref<128x64xf32, #tpu.memory_space<vmem>>, vector<1x16xf32>,
          %swap3A_781 = vector.shape_cast %swap3A_780 : vector<1x16xf32> to vector<16xf32>
          %swap3A_782 = vector.shape_cast %mul3A_777 : vector<16xf32> to vector<1x16xf32>
          tpu.vector_store %arg10[%swap3A_778, %swap3A_779], %swap3A_782 {strides = array<i32>} : memref<128x64xf32, #tpu.memory_space<vmem>>, vector<1x16xf32>,
          %get3A_783 = arith.index_cast %add3A_749 : i32 to index
          %get3A_784 = arith.constant 48 : index
          %get3A_785 = tpu.vector_load %arg10[%get3A_783, %get3A_784] {strides = array<i32>} : memref<128x64xf32, #tpu.memory_space<vmem>>, vector<1x16xf32>,
          %get3A_786 = vector.shape_cast %get3A_785 : vector<1x16xf32> to vector<16xf32>
          %mul3A_787 = vector.broadcast %squeeze3A_745 : f32 to vector<16xf32>
          %mul3A_788 = arith.mulf %get3A_786, %mul3A_787 : vector<16xf32>
          %swap3A_789 = arith.index_cast %add3A_749 : i32 to index
          %swap3A_790 = arith.constant 48 : index
          %swap3A_791 = tpu.vector_load %arg10[%swap3A_789, %swap3A_790] {strides = array<i32>} : memref<128x64xf32, #tpu.memory_space<vmem>>, vector<1x16xf32>,
          %swap3A_792 = vector.shape_cast %swap3A_791 : vector<1x16xf32> to vector<16xf32>
          %swap3A_793 = vector.shape_cast %mul3A_788 : vector<16xf32> to vector<1x16xf32>
          tpu.vector_store %arg10[%swap3A_789, %swap3A_790], %swap3A_793 {strides = array<i32>} : memref<128x64xf32, #tpu.memory_space<vmem>>, vector<1x16xf32>,
          %slice3A_794 = vector.extract_strided_slice %get3A_96 {offsets = [14], sizes = [1], strides = [1]} : vector<16xf32> to vector<1xf32>
          %squeeze3A_795 = vector.extract %slice3A_794[0] : f32 from vector<1xf32>
          %mul3A_796 = arith.constant 16 : i32
          %mul3A_797 = arith.muli %add3A_90, %mul3A_796 : i32
          %add3A_798 = arith.constant 14 : i32
          %add3A_799 = arith.addi %mul3A_797, %add3A_798 : i32
          %get3A_800 = arith.index_cast %add3A_799 : i32 to index
          %get3A_801 = arith.constant 0 : index
          %get3A_802 = tpu.vector_load %arg10[%get3A_800, %get3A_801] {strides = array<i32>} : memref<128x64xf32, #tpu.memory_space<vmem>>, vector<1x16xf32>,
          %get3A_803 = vector.shape_cast %get3A_802 : vector<1x16xf32> to vector<16xf32>
          %mul3A_804 = vector.broadcast %squeeze3A_795 : f32 to vector<16xf32>
          %mul3A_805 = arith.mulf %get3A_803, %mul3A_804 : vector<16xf32>
          %swap3A_806 = arith.index_cast %add3A_799 : i32 to index
          %swap3A_807 = arith.constant 0 : index
          %swap3A_808 = tpu.vector_load %arg10[%swap3A_806, %swap3A_807] {strides = array<i32>} : memref<128x64xf32, #tpu.memory_space<vmem>>, vector<1x16xf32>,
          %swap3A_809 = vector.shape_cast %swap3A_808 : vector<1x16xf32> to vector<16xf32>
          %swap3A_810 = vector.shape_cast %mul3A_805 : vector<16xf32> to vector<1x16xf32>
          tpu.vector_store %arg10[%swap3A_806, %swap3A_807], %swap3A_810 {strides = array<i32>} : memref<128x64xf32, #tpu.memory_space<vmem>>, vector<1x16xf32>,
          %get3A_811 = arith.index_cast %add3A_799 : i32 to index
          %get3A_812 = arith.constant 16 : index
          %get3A_813 = tpu.vector_load %arg10[%get3A_811, %get3A_812] {strides = array<i32>} : memref<128x64xf32, #tpu.memory_space<vmem>>, vector<1x16xf32>,
          %get3A_814 = vector.shape_cast %get3A_813 : vector<1x16xf32> to vector<16xf32>
          %mul3A_815 = vector.broadcast %squeeze3A_795 : f32 to vector<16xf32>
          %mul3A_816 = arith.mulf %get3A_814, %mul3A_815 : vector<16xf32>
          %swap3A_817 = arith.index_cast %add3A_799 : i32 to index
          %swap3A_818 = arith.constant 16 : index
          %swap3A_819 = tpu.vector_load %arg10[%swap3A_817, %swap3A_818] {strides = array<i32>} : memref<128x64xf32, #tpu.memory_space<vmem>>, vector<1x16xf32>,
          %swap3A_820 = vector.shape_cast %swap3A_819 : vector<1x16xf32> to vector<16xf32>
          %swap3A_821 = vector.shape_cast %mul3A_816 : vector<16xf32> to vector<1x16xf32>
          tpu.vector_store %arg10[%swap3A_817, %swap3A_818], %swap3A_821 {strides = array<i32>} : memref<128x64xf32, #tpu.memory_space<vmem>>, vector<1x16xf32>,
          %get3A_822 = arith.index_cast %add3A_799 : i32 to index
          %get3A_823 = arith.constant 32 : index
          %get3A_824 = tpu.vector_load %arg10[%get3A_822, %get3A_823] {strides = array<i32>} : memref<128x64xf32, #tpu.memory_space<vmem>>, vector<1x16xf32>,
          %get3A_825 = vector.shape_cast %get3A_824 : vector<1x16xf32> to vector<16xf32>
          %mul3A_826 = vector.broadcast %squeeze3A_795 : f32 to vector<16xf32>
          %mul3A_827 = arith.mulf %get3A_825, %mul3A_826 : vector<16xf32>
          %swap3A_828 = arith.index_cast %add3A_799 : i32 to index
          %swap3A_829 = arith.constant 32 : index
          %swap3A_830 = tpu.vector_load %arg10[%swap3A_828, %swap3A_829] {strides = array<i32>} : memref<128x64xf32, #tpu.memory_space<vmem>>, vector<1x16xf32>,
          %swap3A_831 = vector.shape_cast %swap3A_830 : vector<1x16xf32> to vector<16xf32>
          %swap3A_832 = vector.shape_cast %mul3A_827 : vector<16xf32> to vector<1x16xf32>
          tpu.vector_store %arg10[%swap3A_828, %swap3A_829], %swap3A_832 {strides = array<i32>} : memref<128x64xf32, #tpu.memory_space<vmem>>, vector<1x16xf32>,
          %get3A_833 = arith.index_cast %add3A_799 : i32 to index
          %get3A_834 = arith.constant 48 : index
          %get3A_835 = tpu.vector_load %arg10[%get3A_833, %get3A_834] {strides = array<i32>} : memref<128x64xf32, #tpu.memory_space<vmem>>, vector<1x16xf32>,
          %get3A_836 = vector.shape_cast %get3A_835 : vector<1x16xf32> to vector<16xf32>
          %mul3A_837 = vector.broadcast %squeeze3A_795 : f32 to vector<16xf32>
          %mul3A_838 = arith.mulf %get3A_836, %mul3A_837 : vector<16xf32>
          %swap3A_839 = arith.index_cast %add3A_799 : i32 to index
          %swap3A_840 = arith.constant 48 : index
          %swap3A_841 = tpu.vector_load %arg10[%swap3A_839, %swap3A_840] {strides = array<i32>} : memref<128x64xf32, #tpu.memory_space<vmem>>, vector<1x16xf32>,
          %swap3A_842 = vector.shape_cast %swap3A_841 : vector<1x16xf32> to vector<16xf32>
          %swap3A_843 = vector.shape_cast %mul3A_838 : vector<16xf32> to vector<1x16xf32>
          tpu.vector_store %arg10[%swap3A_839, %swap3A_840], %swap3A_843 {strides = array<i32>} : memref<128x64xf32, #tpu.memory_space<vmem>>, vector<1x16xf32>,
          %slice3A_844 = vector.extract_strided_slice %get3A_96 {offsets = [15], sizes = [1], strides = [1]} : vector<16xf32> to vector<1xf32>
          %squeeze3A_845 = vector.extract %slice3A_844[0] : f32 from vector<1xf32>
          %mul3A_846 = arith.constant 16 : i32
          %mul3A_847 = arith.muli %add3A_90, %mul3A_846 : i32
          %add3A_848 = arith.constant 15 : i32
          %add3A_849 = arith.addi %mul3A_847, %add3A_848 : i32
          %get3A_850 = arith.index_cast %add3A_849 : i32 to index
          %get3A_851 = arith.constant 0 : index
          %get3A_852 = tpu.vector_load %arg10[%get3A_850, %get3A_851] {strides = array<i32>} : memref<128x64xf32, #tpu.memory_space<vmem>>, vector<1x16xf32>,
          %get3A_853 = vector.shape_cast %get3A_852 : vector<1x16xf32> to vector<16xf32>
          %mul3A_854 = vector.broadcast %squeeze3A_845 : f32 to vector<16xf32>
          %mul3A_855 = arith.mulf %get3A_853, %mul3A_854 : vector<16xf32>
          %swap3A_856 = arith.index_cast %add3A_849 : i32 to index
          %swap3A_857 = arith.constant 0 : index
          %swap3A_858 = tpu.vector_load %arg10[%swap3A_856, %swap3A_857] {strides = array<i32>} : memref<128x64xf32, #tpu.memory_space<vmem>>, vector<1x16xf32>,
          %swap3A_859 = vector.shape_cast %swap3A_858 : vector<1x16xf32> to vector<16xf32>
          %swap3A_860 = vector.shape_cast %mul3A_855 : vector<16xf32> to vector<1x16xf32>
          tpu.vector_store %arg10[%swap3A_856, %swap3A_857], %swap3A_860 {strides = array<i32>} : memref<128x64xf32, #tpu.memory_space<vmem>>, vector<1x16xf32>,
          %get3A_861 = arith.index_cast %add3A_849 : i32 to index
          %get3A_862 = arith.constant 16 : index
          %get3A_863 = tpu.vector_load %arg10[%get3A_861, %get3A_862] {strides = array<i32>} : memref<128x64xf32, #tpu.memory_space<vmem>>, vector<1x16xf32>,
          %get3A_864 = vector.shape_cast %get3A_863 : vector<1x16xf32> to vector<16xf32>
          %mul3A_865 = vector.broadcast %squeeze3A_845 : f32 to vector<16xf32>
          %mul3A_866 = arith.mulf %get3A_864, %mul3A_865 : vector<16xf32>
          %swap3A_867 = arith.index_cast %add3A_849 : i32 to index
          %swap3A_868 = arith.constant 16 : index
          %swap3A_869 = tpu.vector_load %arg10[%swap3A_867, %swap3A_868] {strides = array<i32>} : memref<128x64xf32, #tpu.memory_space<vmem>>, vector<1x16xf32>,
          %swap3A_870 = vector.shape_cast %swap3A_869 : vector<1x16xf32> to vector<16xf32>
          %swap3A_871 = vector.shape_cast %mul3A_866 : vector<16xf32> to vector<1x16xf32>
          tpu.vector_store %arg10[%swap3A_867, %swap3A_868], %swap3A_871 {strides = array<i32>} : memref<128x64xf32, #tpu.memory_space<vmem>>, vector<1x16xf32>,
          %get3A_872 = arith.index_cast %add3A_849 : i32 to index
          %get3A_873 = arith.constant 32 : index
          %get3A_874 = tpu.vector_load %arg10[%get3A_872, %get3A_873] {strides = array<i32>} : memref<128x64xf32, #tpu.memory_space<vmem>>, vector<1x16xf32>,
          %get3A_875 = vector.shape_cast %get3A_874 : vector<1x16xf32> to vector<16xf32>
          %mul3A_876 = vector.broadcast %squeeze3A_845 : f32 to vector<16xf32>
          %mul3A_877 = arith.mulf %get3A_875, %mul3A_876 : vector<16xf32>
          %swap3A_878 = arith.index_cast %add3A_849 : i32 to index
          %swap3A_879 = arith.constant 32 : index
          %swap3A_880 = tpu.vector_load %arg10[%swap3A_878, %swap3A_879] {strides = array<i32>} : memref<128x64xf32, #tpu.memory_space<vmem>>, vector<1x16xf32>,
          %swap3A_881 = vector.shape_cast %swap3A_880 : vector<1x16xf32> to vector<16xf32>
          %swap3A_882 = vector.shape_cast %mul3A_877 : vector<16xf32> to vector<1x16xf32>
          tpu.vector_store %arg10[%swap3A_878, %swap3A_879], %swap3A_882 {strides = array<i32>} : memref<128x64xf32, #tpu.memory_space<vmem>>, vector<1x16xf32>,
          %get3A_883 = arith.index_cast %add3A_849 : i32 to index
          %get3A_884 = arith.constant 48 : index
          %get3A_885 = tpu.vector_load %arg10[%get3A_883, %get3A_884] {strides = array<i32>} : memref<128x64xf32, #tpu.memory_space<vmem>>, vector<1x16xf32>,
          %get3A_886 = vector.shape_cast %get3A_885 : vector<1x16xf32> to vector<16xf32>
          %mul3A_887 = vector.broadcast %squeeze3A_845 : f32 to vector<16xf32>
          %mul3A_888 = arith.mulf %get3A_886, %mul3A_887 : vector<16xf32>
          %swap3A_889 = arith.index_cast %add3A_849 : i32 to index
          %swap3A_890 = arith.constant 48 : index
          %swap3A_891 = tpu.vector_load %arg10[%swap3A_889, %swap3A_890] {strides = array<i32>} : memref<128x64xf32, #tpu.memory_space<vmem>>, vector<1x16xf32>,
          %swap3A_892 = vector.shape_cast %swap3A_891 : vector<1x16xf32> to vector<16xf32>
          %swap3A_893 = vector.shape_cast %mul3A_888 : vector<16xf32> to vector<1x16xf32>
          tpu.vector_store %arg10[%swap3A_889, %swap3A_890], %swap3A_893 {strides = array<i32>} : memref<128x64xf32, #tpu.memory_space<vmem>>, vector<1x16xf32>,
        }
        %scan3A_71 = arith.constant 8 : i32
        %dma_start3A_72 = arith.constant 0 : i32
        %dma_start3A_73 = arith.constant 0 : i32
        %dma_start3A_74 = tpu.memref_slice %arg8[%dma_start3A_72, %dma_start3A_73] : memref<1x128xi32, #tpu.memory_space<vmem>> -> memref<1x128xi32, #tpu.memory_space<vmem>>
        %dma_start3A_75 = tpu.memref_squeeze %dma_start3A_74 : memref<1x128xi32, #tpu.memory_space<vmem>> -> memref<128xi32, #tpu.memory_space<vmem>>
        %dma_start3A_76 = arith.constant 0 : i32
        %dma_start3A_77 = arith.constant 0 : i32
        %dma_start3A_78 = tpu.memref_slice %arg12[%dma_start3A_76, %dma_start3A_77] : memref<16384x64xf32, #tpu.memory_space<vmem_shared>> -> memref<16384x64xf32, #tpu.memory_space<vmem_shared>>
        tpu.enqueue_indirect_dma source(%arg10 : memref<128x64xf32, #tpu.memory_space<vmem>>) target(%dma_start3A_78 : memref<16384x64xf32, #tpu.memory_space<vmem_shared>>) offsets(%dma_start3A_75 : memref<128xi32, #tpu.memory_space<vmem>>) semaphore(%arg14 : memref<!tpu.dma_semaphore, #tpu.memory_space<semaphore_mem>>) {add = true}
        %dma_wait3A_79 = arith.constant 0 : i32
        %dma_wait3A_80 = arith.constant 0 : i32
        %dma_wait3A_81 = tpu.memref_slice %arg8[%dma_wait3A_79, %dma_wait3A_80] : memref<1x128xi32, #tpu.memory_space<vmem>> -> memref<1x128xi32, #tpu.memory_space<vmem>>
        %dma_wait3A_82 = tpu.memref_squeeze %dma_wait3A_81 : memref<1x128xi32, #tpu.memory_space<vmem>> -> memref<128xi32, #tpu.memory_space<vmem>>
        %dma_wait3A_83 = arith.constant 0 : i32
        %dma_wait3A_84 = arith.constant 0 : i32
        %dma_wait3A_85 = tpu.memref_slice %arg12[%dma_wait3A_83, %dma_wait3A_84] : memref<16384x64xf32, #tpu.memory_space<vmem_shared>> -> memref<16384x64xf32, #tpu.memory_space<vmem_shared>>
        tpu.wait_indirect_dma semaphore(%arg14 : memref<!tpu.dma_semaphore, #tpu.memory_space<semaphore_mem>>) src(%arg10 : memref<128x64xf32, #tpu.memory_space<vmem>>) dst(%dma_wait3A_85 : memref<16384x64xf32, #tpu.memory_space<vmem_shared>>)
      }
      %scan3A_37 = arith.constant 132 : i32
      %barrier3A_38 = arith.constant 0 : index
      tpu.barrier barrier_id(%barrier3A_38)
      "tpu.region"() ({
        %run_scoped3A = tpu.sem_alloc : memref<!tpu.dma_semaphore, #tpu.memory_space<semaphore_mem>>
        %dma_start3A = arith.constant 0 : i32
        %dma_start3A_40 = tpu.memref_slice %arg6[%add3A_16, %mul3A_4, %dma_start3A] : memref<16x16384x64xf32, #tpu.memory_space<hbm>> -> memref<1x1024x64xf32, #tpu.memory_space<hbm>>
        %dma_start3A_41 = tpu.memref_squeeze %dma_start3A_40 : memref<1x1024x64xf32, #tpu.memory_space<hbm>> -> memref<1024x64xf32, #tpu.memory_space<hbm>>
        %dma_start3A_42 = arith.constant 0 : i32
        %dma_start3A_43 = tpu.memref_slice %arg12[%mul3A_4, %dma_start3A_42] : memref<16384x64xf32, #tpu.memory_space<vmem_shared>> -> memref<1024x64xf32, #tpu.memory_space<vmem_shared>>
        tpu.enqueue_dma source(%dma_start3A_43 : memref<1024x64xf32, #tpu.memory_space<vmem_shared>>) target(%dma_start3A_41 : memref<1024x64xf32, #tpu.memory_space<hbm>>) target_semaphore(%run_scoped3A : memref<!tpu.dma_semaphore, #tpu.memory_space<semaphore_mem>>)
        %dma_wait3A = arith.constant 0 : i32
        %dma_wait3A_44 = tpu.memref_slice %arg6[%add3A_16, %mul3A_4, %dma_wait3A] : memref<16x16384x64xf32, #tpu.memory_space<hbm>> -> memref<1x1024x64xf32, #tpu.memory_space<hbm>>
        %dma_wait3A_45 = tpu.memref_squeeze %dma_wait3A_44 : memref<1x1024x64xf32, #tpu.memory_space<hbm>> -> memref<1024x64xf32, #tpu.memory_space<hbm>>
        %dma_wait3A_46 = arith.constant 0 : i32
        %dma_wait3A_47 = tpu.memref_slice %arg12[%mul3A_4, %dma_wait3A_46] : memref<16384x64xf32, #tpu.memory_space<vmem_shared>> -> memref<1024x64xf32, #tpu.memory_space<vmem_shared>>
        tpu.wait_dma2 semaphore(%run_scoped3A : memref<!tpu.dma_semaphore, #tpu.memory_space<semaphore_mem>>) src(%dma_wait3A_47 : memref<1024x64xf32, #tpu.memory_space<vmem_shared>>) dst(%dma_wait3A_45 : memref<1024x64xf32, #tpu.memory_space<hbm>>)
        tpu.yield
      }) : () -> ()
      %barrier3A_39 = arith.constant 0 : index
      tpu.barrier barrier_id(%barrier3A_39)
    }
    %scan3A_9 = arith.constant 8 : i32
    return
  }
}

</mosaic_0001>

<sc_bundles>
// kernel: kernel.3.cloned.1.call-start
scs
__scs_entry_jumppad:
0x0: {  	(pc) =	sbr.rel $0x88, $3  }
0x1: {  	(tag) =	ssettag $0x0;
	lr =	simm.s32 $0x1  }
0x2: {  	[smem:$0x3F9D] =	sst lr;
	_ =	strace $0xD0000000  }
0x3: {  	_ = 	snop  }
0x4: {  	_ = 	snop  }
0x5: {  	_ = 	snop  }
0x6: {  	_ = 	snop  }
0x7: {  	_ = 	snop  }
__scs_overlays_trampoline_lowered:
0x8: {  	[smem:$0x3FAC] =	sst s0  }
0x9: {  	[smem:$0x3FAD] =	sst s1  }
0xa: {  	[smem:$0x3FAE] =	sst s2  }
0xb: {  	[smem:$0x3FAF] =	sst s3  }
0xc: {  	[smem:$0x3FB0] =	sst s4  }
0xd: {  	[smem:$0x3FB1] =	sst s5  }
0xe: {  	[smem:$0x3FB2] =	sst s6  }
0xf: {  	[smem:$0x3FB3] =	sst s7  }
0x10: {  	[smem:$0x3FB4] =	sst s8  }
0x11: {  	[smem:$0x3FB5] =	sst s9;
	s0 =	simm.s32 @!p0 $0x0  }
0x12: {  	s1 =	sld [smem:$0x3F9B];
	s0 =	simm.s32 @p0 $0x1  }
0x13: {  	[smem:$0x3FB6] =	sst s0;
	s0 =	simm.s32 @!p1 $0x0  }
0x14: {  	s2 =	sld [smem:$0x3F9A];
	s0 =	simm.s32 @p1 $0x1  }
0x15: {  	[smem:$0x3FB7] =	sst s0;
	s0 =	simm.s32 @!p2 $0x0  }
0x16: {  	s3 =	sld [smem:$0x3FDB];
	s0 =	simm.s32 @p2 $0x1  }
0x17: {  	s4 =	simm.s32 $0x1BF5;
	[smem:$0x3FB9] =	sst s0  }
0x18: {  	s0 =	sld [smem:$0x3F9C];
	_ =	swait.ge [sflag:s4], $0x0  }
0x19: {  	s7 =	sld [smem:$0x3F9D]  }
0x1a: {  	s8 =	sadd.s32 $0xFFFFE003, lr  }
0x1b: {  	s9 =	sadd.s32 $0xFFFFFEF7, lr;
	s5 =	simm.s32 $0xFFFFFFFF;
	p2 =	slt.u32 s8, $0xFFFFF086  }
0x1c: {  	p1 =	slt.u32 s9, $0xF7A;
	s5 =	simm.s32 @!p2 $0x0  }
0x1d: {  	s5 =	simm.s32 @p1 $0x1;
	p0 =	seq.s32 s7, s2  }
0x1e: {  	s7 =	smul.u32 @!p0 $0xF7A, s2;
	p2 =	seq.s32 @!p0 s5, $0x0  }
0x1f: {  	s9 =	smul.u32 $0xF7A, s1;
	s8 =	simm.s32 @!p0 $0x1BF5;
	p2 =	por !p2, p0  }
0x20: {  	[sflag:s8] =	ssyncset.s32 @!p0 $0xFFFFF086;
	s6 =	sadd.s32 @!p0 s3, s7;
	s7 =	simm.s32 @!p0 $0x108  }
0x21: {  	s3 =	sadd.s32 s3, s9;
	s6 =	sadd.s32 @!p0 $0x88, s6;
	s7 =	simm.s32 @p2 $0x1082  }
0x22: {  	[simem:s7], [sflag:s8] =	dma.local @!p0 [hbm:s6], $0xF7A  }
0x23: {  	s9 =	sor.u32 $0xD0000000, s2;
	s6 =	simm.s32 $0x108;
	_ =	swait.ge @!p0 [sflag:s8], $0x0  }
0x24: {  	s3 =	sadd.s32 $0x88, s3;
	s6 =	simm.s32 @!p1 $0x1082;
	[sflag:s4] =	ssyncset.s32 $0xFFFFF086  }
0x25: {  	[simem:s6], [sflag:s4] =	dma.local [hbm:s3], $0xF7A  }
0x26: {  	[smem:$0x3F9D] =	sst s1;
	(tag) =	ssettag s2;
	_ =	strace s9  }
0x27: {  	s1 =	sld [smem:$0x3FAD]  }
0x28: {  	s2 =	sld [smem:$0x3FAE]  }
0x29: {  	s4 =	sld [smem:$0x3FB0]  }
0x2a: {  	p0 =	seq.s32 s5, $0x0;
	s5 =	sld [smem:$0x3FB1]  }
0x2b: {  	s6 =	sld [smem:$0x3FB2]  }
0x2c: {  	s7 =	sld [smem:$0x3FB3]  }
0x2d: {  	s3 =	simm.s32 $0x108;
	s8 =	sld [smem:$0x3FB4]  }
0x2e: {  	s3 =	simm.s32 @!p0 $0x1082;
	s9 =	sld [smem:$0x3FB5]  }
0x2f: {  	lr =	sadd.s32 s0, s3;
	s0 =	sld [smem:$0x3FAC]  }
0x30: {  	s3 =	sld [smem:$0x3FAF]  }
0x31: {  	[smem:$0x3FB8] =	sst s10  }
0x32: {  	s10 =	sld [smem:$0x3FB6];
	_ =	sdelay $0x3  }
0x33: {  	p0 =	seq.s32 s10, $0x1;
	s10 =	sld [smem:$0x3FB8];
	_ =	sdelay $0x3  }
0x34: {  	[smem:$0x3FB8] =	sst s10  }
0x35: {  	s10 =	sld [smem:$0x3FB7];
	_ =	sdelay $0x3  }
0x36: {  	p1 =	seq.s32 s10, $0x1;
	s10 =	sld [smem:$0x3FB8];
	_ =	sdelay $0x3  }
0x37: {  	[smem:$0x3FB8] =	sst s10  }
0x38: {  	s10 =	sld [smem:$0x3FB9]  }
0x39: {  	_ = 	snop;
	(pc) =	sbr.ind lr, $3  }
0x3a: {  	_ = 	snop  }
0x3b: {  	_ = 	snop  }
0x3c: {  	p2 =	seq.s32 s10, $0x1;
	s10 =	sld [smem:$0x3FB8]  }
0x3d: {  	_ =	shalt  }
0x3e: {  	_ =	shalt  }
0x3f: {  	_ =	shalt  }
0x40: {  	_ =	shalt  }
0x41: {  	_ =	shalt  }
0x42: {  	_ =	shalt  }
0x43: {  	_ =	shalt  }
0x44: {  	_ =	shalt  }
0x45: {  	_ =	shalt  }
0x46: {  	_ =	shalt  }
0x47: {  	_ =	shalt  }
0x48: {  	_ =	shalt  }
0x49: {  	_ =	shalt  }
0x4a: {  	_ =	shalt  }
0x4b: {  	_ =	shalt  }
0x4c: {  	_ =	shalt  }
0x4d: {  	_ =	shalt  }
0x4e: {  	_ =	shalt  }
0x4f: {  	_ =	shalt  }
0x50: {  	_ =	shalt  }
0x51: {  	_ =	shalt  }
0x52: {  	_ =	shalt  }
0x53: {  	_ =	shalt  }
0x54: {  	_ =	shalt  }
0x55: {  	_ =	shalt  }
0x56: {  	_ =	shalt  }
0x57: {  	_ =	shalt  }
0x58: {  	_ =	shalt  }
0x59: {  	_ =	shalt  }
0x5a: {  	_ =	shalt  }
0x5b: {  	_ =	shalt  }
0x5c: {  	_ =	shalt  }
0x5d: {  	_ =	shalt  }
0x5e: {  	_ =	shalt  }
0x5f: {  	_ =	shalt  }
0x60: {  	_ =	shalt  }
0x61: {  	_ =	shalt  }
0x62: {  	_ =	shalt  }
0x63: {  	_ =	shalt  }
0x64: {  	_ =	shalt  }
0x65: {  	_ =	shalt  }
0x66: {  	_ =	shalt  }
0x67: {  	_ =	shalt  }
0x68: {  	_ =	shalt  }
0x69: {  	_ =	shalt  }
0x6a: {  	_ =	shalt  }
0x6b: {  	_ =	shalt  }
0x6c: {  	_ =	shalt  }
0x6d: {  	_ =	shalt  }
0x6e: {  	_ =	shalt  }
0x6f: {  	_ =	shalt  }
0x70: {  	_ =	shalt  }
0x71: {  	_ =	shalt  }
0x72: {  	_ =	shalt  }
0x73: {  	_ =	shalt  }
0x74: {  	_ =	shalt  }
0x75: {  	_ =	shalt  }
0x76: {  	_ =	shalt  }
0x77: {  	_ =	shalt  }
0x78: {  	_ =	shalt  }
0x79: {  	_ =	shalt  }
0x7a: {  	_ =	shalt  }
0x7b: {  	_ =	shalt  }
0x7c: {  	_ =	shalt  }
0x7d: {  	_ =	shalt  }
0x7e: {  	_ =	shalt  }
0x7f: {  	_ =	shalt  }
0x80: {  	_ =	shalt  }
0x81: {  	_ =	shalt  }
0x82: {  	_ =	shalt  }
0x83: {  	_ =	shalt  }
0x84: {  	_ =	shalt  }
0x85: {  	_ =	shalt  }
0x86: {  	_ =	shalt  }
0x87: {  	_ =	shalt  }
.Lfunc_end0:
.L_simem_size_0:
called_computation.2_lowered:
.L_overlay_start_0:
0x88: {  	s2 =	sld [smem:$0x3FD9]  }
0x89: {  	s3 =	sld [smem:$0x3FFE];
	_ =	sdelay $0x1  }
0x8a: {  	s1 =	srdreg.scid  }
0x8b: {  	s0 =	sand.u32 $0x1, s1  }
0x8c: {  	s17 =	sshll.u32 s0, $0xA;
	s2 =	sadd.s32 s3, s2  }
0x8d: {  	s2 =	sadd.s32 s2, s17  }
0x8e: {  	[smem:$0x3FC4] =	sst s2  }
0x8f: {  	_ = 	snop  }
0x90: {  	s2 =	sld [smem:$0x3FD0];
	(tm) =	ssettm $0x1  }
0x91: {  	s18 =	sld [smem:$0x3FFB];
	_ =	sdelay $0x3  }
0x92: {  	_ =	strace s18  }
0x93: {  	s3 =	sld [smem:$0x3FFC];
	_ =	sdelay $0x3  }
0x94: {  	_ =	strace s3  }
0x95: {  	s3 =	sld [smem:$0x3FFD];
	_ =	sdelay $0x3  }
0x96: {  	_ =	strace s3  }
0x97: {  	_ =	strace $0x8FFFFFFF  }
0x98: {  	s19 =	sld [smem:$0x3FDB];
	_ =	sdelay $0x1  }
0x99: {  	s4 =	simm.s32 $_scs_section_size  }
0x9a: {  	s5 =	simm.s32 $_size__tile_overlayer_lowered;
	s6 =	simm.s32 $_tile_overlayer_lowered  }
0x9b: {  	s22 =	simm.s32 $0x1BFF;
	s21 =	sshll.u32 s6, $0x1;
	s3 =	sadd.s32 s4, s19  }
0x9c: {  	s7 =	simm.s32 $0x0;
	s20 =	sshll.u32 s5, $0x1;
	s5 =	sadd.s32 s21, s3  }
0x9d: {  	[timem:s7], [sflag:s22] =	dma.local [hbm:s5], s20  }
0x9e: {  	_ =	swait.ge [sflag:s22], s20  }
0x9f: {  	s4 =	ssub.s32 $0x0, s20;
	[sflag:s22] =	ssyncset.done $0x0  }
0xa0: {  	[sflag:s22] =	ssyncadd.s32 s4;
	_ =	sdelay $0x1  }
0xa1: {  	s23 =	simm.s32 $0x1B8B  }
0xa2: {  	_ =	swait.ge [sflag:s23], $0x1  }
0xa3: {  	[sflag:s23] =	ssyncset.done $0x0  }
0xa4: {  	s25 =	simm.s32 $0x1B8E;
	s24 =	sld [smem:$0x3FFE];
	[sflag:s23] =	ssyncadd.s32 $0xFFFFFFFF  }
0xa5: {  	s26 =	simm.s32 $execute0_lowered;
	[smem:$0x3FD2] =	sst s25  }
0xa6: {  	s5 =	sshll.u32 s26, $0x1;
	_ =	strace $0x80000049;
	[dreg:$0x1] =	wrdreg $0xFFFFFFFF  }
0xa7: {  	s28 =	simm.s32 $_size_execute0_lowered;
	s3 =	sadd.s32 s3, s5;
	[dreg:$0x0] =	wrdreg $0x0  }
0xa8: {  	s5 =	sshll.u32 s28, $0x1;
	[dreg:$0x2] =	wrdreg s3  }
0xa9: {  	[dreg:$0x3] =	wrdreg s5  }
0xaa: {  	[dreg:$0x4] =	wrdreg $0xC0  }
0xab: {  	_ =	task [dreg:s7], $0x5FFFF  }
0xac: {  	[dreg:$0x1] =	wrdreg $0xFFFFFFFF  }
0xad: {  	[dreg:$0x0] =	wrdreg $0x60  }
0xae: {  	[dreg:$0x2] =	wrdreg s2  }
0xaf: {  	[dreg:$0x3] =	wrdreg s24  }
0xb0: {  	[dreg:$0x4] =	wrdreg $0x41800  }
0xb1: {  	[dreg:$0x5] =	wrdreg $0x9  }
0xb2: {  	_ =	task.clear_ibuf [dreg:s7], $0x6FFFF;
	_ =	strace $0x90000049  }
0xb3: {  	s29 =	simm.s32 $0x9;
	_ =	strace $0x8000004B  }
0xb4: {  	_ =	swait.ge [sflag:s29], $0x1  }
0xb5: {  	[sflag:s29] =	ssyncadd.s32 $0xFFFFFFFF  }
0xb6: {  	_ =	strace $0x9000004B  }
0xb7: {  	_ =	sfence  }
0xb8: {  	s30 =	sld [smem:$0x0];
	_ =	sdelay $0x2  }
0xb9: {  	s31 =	sshll.u32 s1, $0xD;
	s1 =	sshrl.u32 s1, $0x2  }
0xba: {  	s3 =	sand.u32 $0x4000, s31;
	s1 =	sadd.s32 s1, s30  }
0xbb: {  	s0 =	sor.u32 s3, s0;
	s1 =	sshll.u32 s1, $0x11  }
0xbc: {  	s0 =	sor.u32 s1, s0  }
0xbd: {  	s0 =	sadd.s32 $0x8F2B, s0  }
0xbe: {  	[sflag:s0] =	ssyncadd.remote.s32 $0x1  }
0xbf: {  	_ =	sfence.sel $0xFFFF  }
0xc0: {  	[dreg:$0x0] =	wrdreg $0xFFFFFFFF;
	(pc) =	sbr.abs _section_cstart, $3  }
0xc1: {  	[dreg:$0x1] =	wrdreg $0xFFFFFFFF  }
0xc2: {  	_ =	task.clear_ibuf [dreg:s7], $0x2FFFF;
	_ =	strace $0x9FFFFFFF  }
0xc3: {  	(tm) =	ssettm $0x7FFFFFFF  }
tec
execute0_lowered:
.L_overlay_start_1:
0x0: {  	(tag) =	ssettag $0x1  }
0x1: {  	s0 =	rddreg [dreg:$0x1]  }
0x2: {  	s2 =	rddreg [dreg:$0x2]  }
0x3: {  	s1 =	simm.s32 $0x0;
	s3 =	srdreg.scid;
	s4 =	stileid.u32  }
0x4: {  	s21 =	simm.s32 $0x2180;
	s22 =	simm.s32 $0x3;
	s23 =	simm.s32 $0x80  }
0x5: {  	s24 =	simm.s32 $0x100;
	s25 =	simm.s32 $0x180;
	s26 =	simm.s32 $0x1  }
0x6: {  	s28 =	simm.s32 $0x2;
	[smem:$0x7FF] =	sst s1;
	s5 =	sadd.s32 $0x409600, s0  }
0x7: {  	s6 =	sadd.s32 $0x401200, s0;
	s3 =	sand.u32 $0x1, s3;
	s7 =	sadd.s32 $0x411A00, s0  }
0x8: {  	s8 =	sshll.u32 s4, $0x10;
	s9 =	sadd.s32 $0x1200, s0;
	s19 =	smul.u32 $0x4200, s4  }
0x9: {  	_ =	strace $0x8000004A;
	s11 =	ssub.s32 $0x2, s3;
	s10 =	sadd.s32 s8, s2  }
0xa: {  	s31 =	sshrl.u32 s11, $0x1;
	s12 =	sadd.s32 $0x2000, s10;
	s13 =	sadd.s32 $0x4000, s10  }
0xb: {  	s14 =	sadd.s32 $0x6000, s10;
	s15 =	sadd.s32 $0x8000, s10;
	s0 =	ssub.s32 s11, s31  }
0xc: {  	s16 =	sadd.s32 $0xA000, s10;
	s17 =	sadd.s32 $0xC000, s10;
	s0 =	smax.u32 s0, $0x1  }
0xd: {  	v0 =	vimm.f32 $0.0e+00;
	s18 =	sadd.s32 $0xE000, s10;
	s11 =	sshll.u32 s3, $0x3;
	[dreg:$0x5] =	wrdreg s0  }
.LBB2_1:
0xe: {  	[dreg:$0x4] =	wrdreg s1;
	s3 =	simm.s32 $0x100;
	s0 =	simm.s32 $0x0  }
.LBB2_2:
0xf: {  	p0 =	sne.s32 s3, $0x7F00;
	[tilespmem:s0+$0x21B0] =	vst v0;
	s20 =	smov.u32 s3;
	s3 =	sadd.s32 $0x100, s3  }
.Ltmp0:
0x10: {  	[tilespmem:s0+$0x21A0] =	vst v0;
	(pc) =	sbr.rel @p0 .LBB2_2-.Ltmp0, $3  }
0x11: {  	[tilespmem:s0+$0x2180] =	vst v0  }
0x12: {  	[tilespmem:s0+$0x2190] =	vst v0;
	_ =	sdelay $0x1  }
0x13: {  	s0 =	sshra.s32 s20, $0x2  }
0x14: {  	[tilespmem:s0+$0x21B0] =	vst v0  }
0x15: {  	[tilespmem:s0+$0x21A0] =	vst v0  }
0x16: {  	[tilespmem:s0+$0x2180] =	vst v0  }
0x17: {  	s29 =	simm.s32 $0x0;
	[tilespmem:s0+$0x2190] =	vst v0  }
.LBB2_4:
0x18: {  	[spmem:s10] =	stream.linear.scatter [tilespmem:s21], [sflag:$0x3], $0x2000, $0x38;
	[tilespmem:$0x14180] =	vst v63  }
0x19: {  	_ =	swait.ge [sflag:s22], $0x2000  }
0x1a: {  	[sflag:s22] =	ssyncset.done $0x0  }
0x1b: {  	[sflag:s22] =	ssyncadd.s32 $0xFFFFE000  }
0x1c: {  	[spmem:s12] =	stream.linear.scatter [tilespmem:s21], [sflag:$0x3], $0x2000, $0x38;
	[tilespmem:$0x14180] =	vst v63  }
0x1d: {  	_ =	swait.ge [sflag:s22], $0x2000  }
0x1e: {  	[sflag:s22] =	ssyncset.done $0x0  }
0x1f: {  	[sflag:s22] =	ssyncadd.s32 $0xFFFFE000  }
0x20: {  	[spmem:s13] =	stream.linear.scatter [tilespmem:s21], [sflag:$0x3], $0x2000, $0x38;
	[tilespmem:$0x14180] =	vst v63  }
0x21: {  	_ =	swait.ge [sflag:s22], $0x2000  }
0x22: {  	[sflag:s22] =	ssyncset.done $0x0  }
0x23: {  	[sflag:s22] =	ssyncadd.s32 $0xFFFFE000  }
0x24: {  	[spmem:s14] =	stream.linear.scatter [tilespmem:s21], [sflag:$0x3], $0x2000, $0x38;
	[tilespmem:$0x14180] =	vst v63  }
0x25: {  	_ =	swait.ge [sflag:s22], $0x2000  }
0x26: {  	[sflag:s22] =	ssyncset.done $0x0  }
0x27: {  	[sflag:s22] =	ssyncadd.s32 $0xFFFFE000  }
0x28: {  	[spmem:s15] =	stream.linear.scatter [tilespmem:s21], [sflag:$0x3], $0x2000, $0x38;
	[tilespmem:$0x14180] =	vst v63  }
0x29: {  	_ =	swait.ge [sflag:s22], $0x2000  }
0x2a: {  	[sflag:s22] =	ssyncset.done $0x0  }
0x2b: {  	[sflag:s22] =	ssyncadd.s32 $0xFFFFE000  }
0x2c: {  	[spmem:s16] =	stream.linear.scatter [tilespmem:s21], [sflag:$0x3], $0x2000, $0x38;
	[tilespmem:$0x14180] =	vst v63  }
0x2d: {  	_ =	swait.ge [sflag:s22], $0x2000  }
0x2e: {  	[sflag:s22] =	ssyncset.done $0x0  }
0x2f: {  	[sflag:s22] =	ssyncadd.s32 $0xFFFFE000  }
0x30: {  	[spmem:s17] =	stream.linear.scatter [tilespmem:s21], [sflag:$0x3], $0x2000, $0x38;
	[tilespmem:$0x14180] =	vst v63  }
0x31: {  	_ =	swait.ge [sflag:s22], $0x2000  }
0x32: {  	[sflag:s22] =	ssyncset.done $0x0  }
0x33: {  	[sflag:s22] =	ssyncadd.s32 $0xFFFFE000  }
0x34: {  	[spmem:s18] =	stream.linear.scatter [tilespmem:s21], [sflag:$0x3], $0x2000, $0x38;
	[tilespmem:$0x14180] =	vst v63  }
0x35: {  	_ =	swait.ge [sflag:s22], $0x2000  }
0x36: {  	[sflag:s22] =	ssyncset.done $0x0  }
0x37: {  	[sflag:s22] =	ssyncadd.s32 $0xFFFFE000  }
0x38: {  	s30 =	sadd.s32 s11, s29;
	[bflag:$0x0] =	sbarrier.arrive $0xFFFF  }
0x39: {  	s0 =	sshll.u32 s30, $0x11;
	s1 =	rddreg [dreg:$0x0]  }
0x3a: {  	s31 =	sadd.s32 s1, s0;
	s0 =	simm.s32 $0x0  }
.LBB2_5:
0x3b: {  	s3 =	sshll.u32 s0, $0x7  }
0x3c: {  	s3 =	sadd.s32 s19, s3  }
0x3d: {  	s3 =	sshrl.u32 s3, $0x3  }
0x3e: {  	s20 =	simm.s32 $0x0;
	s1 =	sadd.s32 s5, s3  }
0x3f: {  	[tilespmem:s20], [sflag:$0x3] =	stream.linear.gather [hbm4b:s1+s20], $0x80, $0x38;
	[tilespmem:$0x14180] =	vst v63  }
0x40: {  	_ =	swait.ge [sflag:s22], $0x80  }
0x41: {  	[sflag:s22] =	ssyncset.done $0x0  }
0x42: {  	s1 =	sadd.s32 s6, s3;
	[sflag:s22] =	ssyncadd.s32 $0xFFFFFF80  }
0x43: {  	[tilespmem:s23], [sflag:$0x3] =	stream.linear.gather [hbm4b:s1+s20], $0x80, $0x38;
	[tilespmem:$0x14180] =	vst v63  }
0x44: {  	_ =	swait.ge [sflag:s22], $0x80  }
0x45: {  	[sflag:s22] =	ssyncset.done $0x0  }
0x46: {  	s3 =	sadd.s32 s7, s3;
	[sflag:s22] =	ssyncadd.s32 $0xFFFFFF80  }
0x47: {  	[tilespmem:s24], [sflag:$0x3] =	stream.linear.gather [hbm4b:s3+s20], $0x80, $0x38;
	[tilespmem:$0x14180] =	vst v63  }
0x48: {  	_ =	swait.ge [sflag:s22], $0x80  }
0x49: {  	[sflag:s22] =	ssyncset.done $0x0  }
0x4a: {  	[sflag:s22] =	ssyncadd.s32 $0xFFFFFF80  }
0x4b: {  	[tilespmem:s25], [sflag:$0x1] =	stream.indirect.gather [hbm4b:s31+s23], $0x40, s20, s23, $0xb8;
	[tilespmem:$0x14180] =	vst v63  }
0x4c: {  	_ =	swait.ge [sflag:s26], $0x2000  }
0x4d: {  	[sflag:s26] =	ssyncset.done $0x0  }
0x4e: {  	s3 =	simm.s32 $0x380;
	[sflag:s26] =	ssyncadd.s32 $0xFFFFE000  }
.LBB2_6:
0x4f: {  	s1 =	sshra.s32 s20, $0x2  }
0x50: {  	v1 =	vld [tilespmem:s1+$0x100];
	_ =	sdelay $0x1  }
0x51: {  	v2 =	vld [tilespmem:s3+$0xFFFFFE00];
	_ =	sdelay $0x2  }
0x52: {  	v3 =	vbroadcast v1, $0x0;
	_ =	sdelay $0x1  }
0x53: {  	v2 =	vmul.f32 v3, v2;
	_ =	sdelay $0x1  }
0x54: {  	[tilespmem:s3+$0xFFFFFE00] =	vst v2;
	v2 =	vld [tilespmem:s3+$0xFFFFFE10];
	_ =	sdelay $0x4  }
0x55: {  	v2 =	vmul.f32 v2, v3;
	_ =	sdelay $0x1  }
0x56: {  	[tilespmem:s3+$0xFFFFFE10] =	vst v2;
	v2 =	vld [tilespmem:s3+$0xFFFFFE20];
	_ =	sdelay $0x4  }
0x57: {  	v2 =	vmul.f32 v2, v3;
	_ =	sdelay $0x1  }
0x58: {  	[tilespmem:s3+$0xFFFFFE20] =	vst v2;
	v2 =	vld [tilespmem:s3+$0xFFFFFE30];
	_ =	sdelay $0x4  }
0x59: {  	v2 =	vmul.f32 v2, v3;
	_ =	sdelay $0x1  }
0x5a: {  	[tilespmem:s3+$0xFFFFFE30] =	vst v2;
	v2 =	vld [tilespmem:s3+$0xFFFFFE40];
	_ =	sdelay $0x2  }
0x5b: {  	v3 =	vbroadcast v1, $0x1;
	_ =	sdelay $0x1  }
0x5c: {  	v2 =	vmul.f32 v2, v3;
	_ =	sdelay $0x1  }
0x5d: {  	[tilespmem:s3+$0xFFFFFE40] =	vst v2;
	v2 =	vld [tilespmem:s3+$0xFFFFFE50];
	_ =	sdelay $0x4  }
0x5e: {  	v2 =	vmul.f32 v2, v3;
	_ =	sdelay $0x1  }
0x5f: {  	[tilespmem:s3+$0xFFFFFE50] =	vst v2;
	v2 =	vld [tilespmem:s3+$0xFFFFFE60];
	_ =	sdelay $0x4  }
0x60: {  	v2 =	vmul.f32 v2, v3;
	_ =	sdelay $0x1  }
0x61: {  	[tilespmem:s3+$0xFFFFFE60] =	vst v2;
	v2 =	vld [tilespmem:s3+$0xFFFFFE70];
	_ =	sdelay $0x4  }
0x62: {  	v2 =	vmul.f32 v2, v3;
	_ =	sdelay $0x1  }
0x63: {  	[tilespmem:s3+$0xFFFFFE70] =	vst v2;
	v2 =	vld [tilespmem:s3+$0xFFFFFE80];
	_ =	sdelay $0x2  }
0x64: {  	v3 =	vbroadcast v1, $0x2;
	_ =	sdelay $0x1  }
0x65: {  	v2 =	vmul.f32 v2, v3;
	_ =	sdelay $0x1  }
0x66: {  	[tilespmem:s3+$0xFFFFFE80] =	vst v2;
	v2 =	vld [tilespmem:s3+$0xFFFFFE90];
	_ =	sdelay $0x4  }
0x67: {  	v2 =	vmul.f32 v2, v3;
	_ =	sdelay $0x1  }
0x68: {  	[tilespmem:s3+$0xFFFFFE90] =	vst v2;
	v2 =	vld [tilespmem:s3+$0xFFFFFEA0];
	_ =	sdelay $0x4  }
0x69: {  	v2 =	vmul.f32 v2, v3;
	_ =	sdelay $0x1  }
0x6a: {  	[tilespmem:s3+$0xFFFFFEA0] =	vst v2;
	v2 =	vld [tilespmem:s3+$0xFFFFFEB0];
	_ =	sdelay $0x4  }
0x6b: {  	v2 =	vmul.f32 v2, v3;
	_ =	sdelay $0x1  }
0x6c: {  	[tilespmem:s3+$0xFFFFFEB0] =	vst v2;
	v2 =	vld [tilespmem:s3+$0xFFFFFEC0];
	_ =	sdelay $0x2  }
0x6d: {  	v3 =	vbroadcast v1, $0x3;
	_ =	sdelay $0x1  }
0x6e: {  	v2 =	vmul.f32 v2, v3;
	_ =	sdelay $0x1  }
0x6f: {  	[tilespmem:s3+$0xFFFFFEC0] =	vst v2;
	v2 =	vld [tilespmem:s3+$0xFFFFFED0];
	_ =	sdelay $0x4  }
0x70: {  	v2 =	vmul.f32 v2, v3;
	_ =	sdelay $0x1  }
0x71: {  	[tilespmem:s3+$0xFFFFFED0] =	vst v2;
	v2 =	vld [tilespmem:s3+$0xFFFFFEE0];
	_ =	sdelay $0x4  }
0x72: {  	v2 =	vmul.f32 v2, v3;
	_ =	sdelay $0x1  }
0x73: {  	[tilespmem:s3+$0xFFFFFEE0] =	vst v2;
	v2 =	vld [tilespmem:s3+$0xFFFFFEF0];
	_ =	sdelay $0x4  }
0x74: {  	v2 =	vmul.f32 v2, v3;
	_ =	sdelay $0x1  }
0x75: {  	[tilespmem:s3+$0xFFFFFEF0] =	vst v2;
	v2 =	vld [tilespmem:s3+$0xFFFFFF00];
	_ =	sdelay $0x2  }
0x76: {  	v3 =	vbroadcast v1, $0x4;
	_ =	sdelay $0x1  }
0x77: {  	v2 =	vmul.f32 v2, v3;
	_ =	sdelay $0x1  }
0x78: {  	[tilespmem:s3+$0xFFFFFF00] =	vst v2;
	v2 =	vld [tilespmem:s3+$0xFFFFFF10];
	_ =	sdelay $0x4  }
0x79: {  	v2 =	vmul.f32 v2, v3;
	_ =	sdelay $0x1  }
0x7a: {  	[tilespmem:s3+$0xFFFFFF10] =	vst v2;
	v2 =	vld [tilespmem:s3+$0xFFFFFF20];
	_ =	sdelay $0x4  }
0x7b: {  	v2 =	vmul.f32 v2, v3;
	_ =	sdelay $0x1  }
0x7c: {  	[tilespmem:s3+$0xFFFFFF20] =	vst v2;
	v2 =	vld [tilespmem:s3+$0xFFFFFF30];
	_ =	sdelay $0x4  }
0x7d: {  	v2 =	vmul.f32 v2, v3;
	_ =	sdelay $0x1  }
0x7e: {  	[tilespmem:s3+$0xFFFFFF30] =	vst v2;
	v2 =	vld [tilespmem:s3+$0xFFFFFF40];
	_ =	sdelay $0x2  }
0x7f: {  	v3 =	vbroadcast v1, $0x5;
	_ =	sdelay $0x1  }
0x80: {  	v2 =	vmul.f32 v2, v3;
	_ =	sdelay $0x1  }
0x81: {  	[tilespmem:s3+$0xFFFFFF40] =	vst v2;
	v2 =	vld [tilespmem:s3+$0xFFFFFF50];
	_ =	sdelay $0x4  }
0x82: {  	v2 =	vmul.f32 v2, v3;
	_ =	sdelay $0x1  }
0x83: {  	[tilespmem:s3+$0xFFFFFF50] =	vst v2;
	v2 =	vld [tilespmem:s3+$0xFFFFFF60];
	_ =	sdelay $0x4  }
0x84: {  	v2 =	vmul.f32 v2, v3;
	_ =	sdelay $0x1  }
0x85: {  	[tilespmem:s3+$0xFFFFFF60] =	vst v2;
	v2 =	vld [tilespmem:s3+$0xFFFFFF70];
	_ =	sdelay $0x4  }
0x86: {  	v2 =	vmul.f32 v2, v3;
	_ =	sdelay $0x1  }
0x87: {  	[tilespmem:s3+$0xFFFFFF70] =	vst v2;
	v2 =	vld [tilespmem:s3+$0xFFFFFF80];
	_ =	sdelay $0x2  }
0x88: {  	v3 =	vbroadcast v1, $0x6;
	_ =	sdelay $0x1  }
0x89: {  	v2 =	vmul.f32 v2, v3;
	_ =	sdelay $0x1  }
0x8a: {  	[tilespmem:s3+$0xFFFFFF80] =	vst v2;
	v2 =	vld [tilespmem:s3+$0xFFFFFF90];
	_ =	sdelay $0x4  }
0x8b: {  	v2 =	vmul.f32 v2, v3;
	_ =	sdelay $0x1  }
0x8c: {  	[tilespmem:s3+$0xFFFFFF90] =	vst v2;
	v2 =	vld [tilespmem:s3+$0xFFFFFFA0];
	_ =	sdelay $0x4  }
0x8d: {  	v2 =	vmul.f32 v2, v3;
	_ =	sdelay $0x1  }
0x8e: {  	[tilespmem:s3+$0xFFFFFFA0] =	vst v2;
	v2 =	vld [tilespmem:s3+$0xFFFFFFB0];
	_ =	sdelay $0x4  }
0x8f: {  	v2 =	vmul.f32 v2, v3;
	_ =	sdelay $0x1  }
0x90: {  	[tilespmem:s3+$0xFFFFFFB0] =	vst v2;
	v2 =	vld [tilespmem:s3+$0xFFFFFFC0];
	_ =	sdelay $0x2  }
0x91: {  	v3 =	vbroadcast v1, $0x7;
	_ =	sdelay $0x1  }
0x92: {  	v2 =	vmul.f32 v2, v3;
	_ =	sdelay $0x1  }
0x93: {  	[tilespmem:s3+$0xFFFFFFC0] =	vst v2;
	v2 =	vld [tilespmem:s3+$0xFFFFFFD0];
	_ =	sdelay $0x4  }
0x94: {  	v2 =	vmul.f32 v2, v3;
	_ =	sdelay $0x1  }
0x95: {  	[tilespmem:s3+$0xFFFFFFD0] =	vst v2;
	v2 =	vld [tilespmem:s3+$0xFFFFFFE0];
	_ =	sdelay $0x4  }
0x96: {  	v2 =	vmul.f32 v2, v3;
	_ =	sdelay $0x1  }
0x97: {  	[tilespmem:s3+$0xFFFFFFE0] =	vst v2;
	v2 =	vld [tilespmem:s3+$0xFFFFFFF0];
	_ =	sdelay $0x4  }
0x98: {  	v2 =	vmul.f32 v2, v3;
	_ =	sdelay $0x1  }
0x99: {  	[tilespmem:s3+$0xFFFFFFF0] =	vst v2;
	v2 =	vld [tilespmem:s3+$0x0];
	_ =	sdelay $0x2  }
0x9a: {  	v3 =	vbroadcast v1, $0x8;
	_ =	sdelay $0x1  }
0x9b: {  	v2 =	vmul.f32 v2, v3;
	_ =	sdelay $0x1  }
0x9c: {  	[tilespmem:s3+$0x0] =	vst v2;
	v2 =	vld [tilespmem:s3+$0x10];
	_ =	sdelay $0x4  }
0x9d: {  	v2 =	vmul.f32 v2, v3;
	_ =	sdelay $0x1  }
0x9e: {  	[tilespmem:s3+$0x10] =	vst v2;
	v2 =	vld [tilespmem:s3+$0x20];
	_ =	sdelay $0x4  }
0x9f: {  	v2 =	vmul.f32 v2, v3;
	_ =	sdelay $0x1  }
0xa0: {  	[tilespmem:s3+$0x20] =	vst v2;
	v2 =	vld [tilespmem:s3+$0x30];
	_ =	sdelay $0x4  }
0xa1: {  	v2 =	vmul.f32 v2, v3;
	_ =	sdelay $0x1  }
0xa2: {  	[tilespmem:s3+$0x30] =	vst v2;
	v2 =	vld [tilespmem:s3+$0x40];
	_ =	sdelay $0x2  }
0xa3: {  	v3 =	vbroadcast v1, $0x9;
	_ =	sdelay $0x1  }
0xa4: {  	v2 =	vmul.f32 v2, v3;
	_ =	sdelay $0x1  }
0xa5: {  	[tilespmem:s3+$0x40] =	vst v2;
	v2 =	vld [tilespmem:s3+$0x50];
	_ =	sdelay $0x4  }
0xa6: {  	v2 =	vmul.f32 v2, v3;
	_ =	sdelay $0x1  }
0xa7: {  	[tilespmem:s3+$0x50] =	vst v2;
	v2 =	vld [tilespmem:s3+$0x60];
	_ =	sdelay $0x4  }
0xa8: {  	v2 =	vmul.f32 v2, v3;
	_ =	sdelay $0x1  }
0xa9: {  	[tilespmem:s3+$0x60] =	vst v2;
	v2 =	vld [tilespmem:s3+$0x70];
	_ =	sdelay $0x4  }
0xaa: {  	v2 =	vmul.f32 v2, v3;
	_ =	sdelay $0x1  }
0xab: {  	[tilespmem:s3+$0x70] =	vst v2;
	v2 =	vld [tilespmem:s3+$0x80];
	_ =	sdelay $0x2  }
0xac: {  	v3 =	vbroadcast v1, $0xA;
	_ =	sdelay $0x1  }
0xad: {  	v2 =	vmul.f32 v2, v3;
	_ =	sdelay $0x1  }
0xae: {  	[tilespmem:s3+$0x80] =	vst v2;
	v2 =	vld [tilespmem:s3+$0x90];
	_ =	sdelay $0x4  }
0xaf: {  	v2 =	vmul.f32 v2, v3;
	_ =	sdelay $0x1  }
0xb0: {  	[tilespmem:s3+$0x90] =	vst v2;
	v2 =	vld [tilespmem:s3+$0xA0];
	_ =	sdelay $0x4  }
0xb1: {  	v2 =	vmul.f32 v2, v3;
	_ =	sdelay $0x1  }
0xb2: {  	[tilespmem:s3+$0xA0] =	vst v2;
	v2 =	vld [tilespmem:s3+$0xB0];
	_ =	sdelay $0x4  }
0xb3: {  	v2 =	vmul.f32 v2, v3;
	_ =	sdelay $0x1  }
0xb4: {  	[tilespmem:s3+$0xB0] =	vst v2;
	v2 =	vld [tilespmem:s3+$0xC0];
	_ =	sdelay $0x2  }
0xb5: {  	v3 =	vbroadcast v1, $0xB;
	_ =	sdelay $0x1  }
0xb6: {  	v2 =	vmul.f32 v2, v3;
	_ =	sdelay $0x1  }
0xb7: {  	[tilespmem:s3+$0xC0] =	vst v2;
	v2 =	vld [tilespmem:s3+$0xD0];
	_ =	sdelay $0x4  }
0xb8: {  	v2 =	vmul.f32 v2, v3;
	_ =	sdelay $0x1  }
0xb9: {  	[tilespmem:s3+$0xD0] =	vst v2;
	v2 =	vld [tilespmem:s3+$0xE0];
	_ =	sdelay $0x4  }
0xba: {  	v2 =	vmul.f32 v2, v3;
	_ =	sdelay $0x1  }
0xbb: {  	[tilespmem:s3+$0xE0] =	vst v2;
	v2 =	vld [tilespmem:s3+$0xF0];
	_ =	sdelay $0x4  }
0xbc: {  	v2 =	vmul.f32 v2, v3;
	_ =	sdelay $0x1  }
0xbd: {  	[tilespmem:s3+$0xF0] =	vst v2;
	v2 =	vld [tilespmem:s3+$0x100];
	_ =	sdelay $0x2  }
0xbe: {  	v3 =	vbroadcast v1, $0xC;
	_ =	sdelay $0x1  }
0xbf: {  	v2 =	vmul.f32 v2, v3;
	_ =	sdelay $0x1  }
0xc0: {  	[tilespmem:s3+$0x100] =	vst v2;
	v2 =	vld [tilespmem:s3+$0x110];
	_ =	sdelay $0x4  }
0xc1: {  	v2 =	vmul.f32 v2, v3;
	_ =	sdelay $0x1  }
0xc2: {  	[tilespmem:s3+$0x110] =	vst v2;
	v2 =	vld [tilespmem:s3+$0x120];
	_ =	sdelay $0x4  }
0xc3: {  	v2 =	vmul.f32 v2, v3;
	_ =	sdelay $0x1  }
0xc4: {  	[tilespmem:s3+$0x120] =	vst v2;
	v2 =	vld [tilespmem:s3+$0x130];
	_ =	sdelay $0x4  }
0xc5: {  	v2 =	vmul.f32 v2, v3;
	_ =	sdelay $0x1  }
0xc6: {  	[tilespmem:s3+$0x130] =	vst v2;
	v2 =	vld [tilespmem:s3+$0x140];
	_ =	sdelay $0x2  }
0xc7: {  	v3 =	vbroadcast v1, $0xD;
	_ =	sdelay $0x1  }
0xc8: {  	v2 =	vmul.f32 v2, v3;
	_ =	sdelay $0x1  }
0xc9: {  	[tilespmem:s3+$0x140] =	vst v2;
	v2 =	vld [tilespmem:s3+$0x150];
	_ =	sdelay $0x4  }
0xca: {  	v2 =	vmul.f32 v2, v3;
	_ =	sdelay $0x1  }
0xcb: {  	[tilespmem:s3+$0x150] =	vst v2;
	v2 =	vld [tilespmem:s3+$0x160];
	_ =	sdelay $0x4  }
0xcc: {  	v2 =	vmul.f32 v2, v3;
	_ =	sdelay $0x1  }
0xcd: {  	[tilespmem:s3+$0x160] =	vst v2;
	v2 =	vld [tilespmem:s3+$0x170];
	_ =	sdelay $0x4  }
0xce: {  	v2 =	vmul.f32 v2, v3;
	_ =	sdelay $0x1  }
0xcf: {  	[tilespmem:s3+$0x170] =	vst v2;
	v2 =	vld [tilespmem:s3+$0x180];
	_ =	sdelay $0x2  }
0xd0: {  	v3 =	vbroadcast v1, $0xE;
	_ =	sdelay $0x1  }
0xd1: {  	v2 =	vmul.f32 v2, v3;
	_ =	sdelay $0x1  }
0xd2: {  	[tilespmem:s3+$0x180] =	vst v2;
	v2 =	vld [tilespmem:s3+$0x190];
	_ =	sdelay $0x4  }
0xd3: {  	v2 =	vmul.f32 v2, v3;
	_ =	sdelay $0x1  }
0xd4: {  	[tilespmem:s3+$0x190] =	vst v2;
	v2 =	vld [tilespmem:s3+$0x1A0];
	_ =	sdelay $0x4  }
0xd5: {  	v2 =	vmul.f32 v2, v3;
	_ =	sdelay $0x1  }
0xd6: {  	[tilespmem:s3+$0x1A0] =	vst v2;
	v2 =	vld [tilespmem:s3+$0x1B0];
	_ =	sdelay $0x4  }
0xd7: {  	v2 =	vmul.f32 v2, v3;
	_ =	sdelay $0x1  }
0xd8: {  	[tilespmem:s3+$0x1B0] =	vst v2;
	v2 =	vld [tilespmem:s3+$0x1C0];
	_ =	sdelay $0x2  }
0xd9: {  	v1 =	vbroadcast v1, $0xF;
	_ =	sdelay $0x1  }
0xda: {  	v2 =	vmul.f32 v2, v1;
	_ =	sdelay $0x1  }
0xdb: {  	[tilespmem:s3+$0x1C0] =	vst v2;
	v2 =	vld [tilespmem:s3+$0x1D0];
	_ =	sdelay $0x4  }
0xdc: {  	v2 =	vmul.f32 v2, v1;
	_ =	sdelay $0x1  }
0xdd: {  	[tilespmem:s3+$0x1D0] =	vst v2;
	v2 =	vld [tilespmem:s3+$0x1E0];
	_ =	sdelay $0x4  }
0xde: {  	v2 =	vmul.f32 v2, v1;
	_ =	sdelay $0x1  }
0xdf: {  	[tilespmem:s3+$0x1E0] =	vst v2;
	v2 =	vld [tilespmem:s3+$0x1F0];
	_ =	sdelay $0x1  }
0xe0: {  	p0 =	sne.s32 s20, $0x1C0  }
.Ltmp1:
0xe1: {  	_ = 	snop;
	(pc) =	sbr.rel @p0 .LBB2_6-.Ltmp1, $3  }
0xe2: {  	_ = 	snop  }
0xe3: {  	v1 =	vmul.f32 v2, v1;
	_ =	sdelay $0x1  }
0xe4: {  	s20 =	sadd.s32 $0x40, s20;
	[tilespmem:s3+$0x1F0] =	vst v1;
	s3 =	sadd.s32 $0x400, s3  }
0xe5: {  	s0 =	sadd.s32 $0x1, s0  }
0xe6: {  	p0 =	sne.s32 s0, $0x84  }
.Ltmp2:
0xe7: {  	_ = 	snop;
	(pc) =	sbr.rel @p0 .LBB2_5-.Ltmp2, $4  }
0xe8: {  	[spmem:s2] =	stream.indirect.scatter.add.f32 [tilespmem:s25], [sflag:$0x2], $0x40, s23, s23, $0xb8;
	[tilespmem:$0x14180] =	vst v63  }
0xe9: {  	_ =	swait.ge [sflag:s28], $0x2000  }
0xea: {  	[sflag:s28] =	ssyncset.done $0x0  }
0xeb: {  	[sflag:s28] =	ssyncadd.s32 $0xFFFFE000  }
0xec: {  	s0 =	sshll.u32 s30, $0x14  }
0xed: {  	[bflag:$0x0] =	sbarrier.arrive $0xFFFF;
	s1 =	sshll.u32 s4, $0x6;
	s0 =	sor.u32 s8, s0  }
0xee: {  	s3 =	sshrl.u32 s10, $0x3;
	s29 =	sadd.s32 $0x1, s29;
	s0 =	sshrl.u32 s0, $0x3  }
0xef: {  	s1 =	sor.u32 $0x1C03, s1;
	p0 =	sne.s32 s29, $0x8;
	s0 =	sadd.s32 s9, s0  }
0xf0: {  	[hbm:s0], [sflag:s1] =	dma.local [spmem:s3], $0x2000  }
.Ltmp3:
0xf1: {  	_ =	swait.ge [sflag:s22], $0x2000;
	(pc) =	sbr.rel @p0 .LBB2_4-.Ltmp3, $3  }
0xf2: {  	[sflag:s22] =	ssyncset.done $0x0  }
0xf3: {  	[sflag:s22] =	ssyncadd.s32 $0xFFFFE000  }
0xf4: {  	[bflag:$0x0] =	sbarrier.arrive $0xFFFF;
	_ =	sdelay $0x1  }
0xf5: {  	s1 =	rddreg [dreg:$0x4]  }
0xf6: {  	s0 =	rddreg [dreg:$0x5];
	s1 =	sadd.s32 $0x1, s1  }
0xf7: {  	p0 =	sne.s32 s1, s0  }
.Ltmp4:
0xf8: {  	_ = 	snop;
	(pc) =	sbr.rel @p0 .LBB2_1-.Ltmp4, $1  }
0xf9: {  	_ =	sdelay $0x3  }
0xfa: {  	_ =	sfence.sel $0x180000  }
0xfb: {  	[bflag:$0x0] =	sbarrier.arrive $0xFFFF  }
0xfc: {  	_ =	strace $0x9000004A  }
0xfd: {  	[bflag:$0x2] =	sbarrier.arrive $0xFFFF  }
0xfe: {  	p0 =	sne.s32 s4, $0x0;
	s0 =	rddreg [dreg:$0x3]  }
0xff: {  	s0 =	sadd.s32 @!p0 $0x100000, s0  }
0x100: {  	[sflag:s0] =	ssyncadd.tile.s32 @!p0 $0x1;
	_ =	shalt  }
.Lfunc_end2:
_tile_overlayer_lowered:
.L_overlay_start_2:
0x101: {  	(tag) =	ssettag $0x2  }
0x102: {  	s0 =	rddreg [dreg:$0x0];
	s2 =	stileid.u32  }
0x103: {  	s1 =	rddreg [dreg:$0x1];
	p0 =	sne.s32 s2, $0x0  }
0x104: {  	s3 =	rddreg [dreg:$0x2];
	[bflag:$0x3] =	sbarrier.arrive $0xFFFF;
	s2 =	simm.s32 @!p0 $0x1C03  }
0x105: {  	[timem:s3], [sflag:s2] =	dma.local @!p0 [hbm:s0], s1  }
0x106: {  	s0 =	simm.s32 @!p0 $0x3  }
0x107: {  	_ =	swait.ge @!p0 [sflag:s0], s1  }
0x108: {  	s1 =	ssub.s32 @!p0 $0x0, s1;
	[sflag:s0] =	ssyncset.done @!p0 $0x0  }
0x109: {  	[sflag:s0] =	ssyncadd.s32 @!p0 s1  }
0x10a: {  	[bflag:$0x3] =	sbarrier.arrive $0xFFFF  }
0x10b: {  	_ =	shalt  }

// kernel: sparse-core-data-format-call.1.cloned.1.call-start
scs
called_computation.1_lowered:
.L_overlay_start_0:
0x0: {  	s2 =	sld [smem:$0x3FD9]  }
0x1: {  	s3 =	sld [smem:$0x3FFE];
	_ =	sdelay $0x1  }
0x2: {  	s1 =	srdreg.scid  }
0x3: {  	s0 =	sand.u32 $0x1, s1  }
0x4: {  	s18 =	sshll.u32 s0, $0xA;
	s2 =	sadd.s32 s3, s2  }
0x5: {  	s2 =	sadd.s32 s2, s18  }
0x6: {  	[smem:$0x3FC4] =	sst s2  }
0x7: {  	_ = 	snop  }
0x8: {  	s2 =	sld [smem:$0x3FC9];
	(tm) =	ssettm $0x1  }
0x9: {  	s19 =	sld [smem:$0x3FFB];
	_ =	sdelay $0x3  }
0xa: {  	_ =	strace s19  }
0xb: {  	s3 =	sld [smem:$0x3FFC];
	_ =	sdelay $0x3  }
0xc: {  	_ =	strace s3  }
0xd: {  	s3 =	sld [smem:$0x3FFD];
	_ =	sdelay $0x3  }
0xe: {  	_ =	strace s3  }
0xf: {  	_ =	strace $0x8FFFFFFF  }
0x10: {  	s20 =	sld [smem:$0x3FDB];
	_ =	sdelay $0x1  }
0x11: {  	s4 =	simm.s32 $_scs_section_size  }
0x12: {  	s5 =	simm.s32 $_size__tile_overlayer_lowered;
	s6 =	simm.s32 $_tile_overlayer_lowered  }
0x13: {  	s23 =	simm.s32 $0x1BFF;
	s22 =	sshll.u32 s6, $0x1;
	s3 =	sadd.s32 s4, s20  }
0x14: {  	s7 =	simm.s32 $0x0;
	s21 =	sshll.u32 s5, $0x1;
	s5 =	sadd.s32 s22, s3  }
0x15: {  	[timem:s7], [sflag:s23] =	dma.local [hbm:s5], s21  }
0x16: {  	_ =	swait.ge [sflag:s23], s21  }
0x17: {  	s4 =	ssub.s32 $0x0, s21;
	[sflag:s23] =	ssyncset.done $0x0  }
0x18: {  	[sflag:s23] =	ssyncadd.s32 s4;
	_ =	sdelay $0x1  }
0x19: {  	s24 =	simm.s32 $0x1B8B  }
0x1a: {  	_ =	swait.ge [sflag:s24], $0x1  }
0x1b: {  	[sflag:s24] =	ssyncset.done $0x0  }
0x1c: {  	s26 =	simm.s32 $0x1B8E;
	s25 =	sld [smem:$0x3FFE];
	[sflag:s24] =	ssyncadd.s32 $0xFFFFFFFF  }
0x1d: {  	s27 =	simm.s32 $execute0_lowered;
	[smem:$0x3FD2] =	sst s26  }
0x1e: {  	s5 =	sshll.u32 s27, $0x1;
	_ =	strace $0x80000046;
	[dreg:$0x1] =	wrdreg $0xFFFFFFFF  }
0x1f: {  	s28 =	simm.s32 $_size_execute0_lowered;
	s3 =	sadd.s32 s3, s5;
	[dreg:$0x0] =	wrdreg $0x0  }
0x20: {  	s5 =	sshll.u32 s28, $0x1;
	[dreg:$0x2] =	wrdreg s3  }
0x21: {  	[dreg:$0x3] =	wrdreg s5  }
0x22: {  	[dreg:$0x4] =	wrdreg $0xC0  }
0x23: {  	_ =	task [dreg:s7], $0x5FFFF  }
0x24: {  	[dreg:$0x1] =	wrdreg $0xFFFFFFFF  }
0x25: {  	[dreg:$0x0] =	wrdreg $0x60  }
0x26: {  	[dreg:$0x2] =	wrdreg s2  }
0x27: {  	[dreg:$0x3] =	wrdreg s25  }
0x28: {  	[dreg:$0x4] =	wrdreg $0x9  }
0x29: {  	_ =	task.clear_ibuf [dreg:s7], $0x5FFFF;
	_ =	strace $0x90000046  }
0x2a: {  	s29 =	simm.s32 $0x9;
	_ =	strace $0x80000048  }
0x2b: {  	_ =	swait.ge [sflag:s29], $0x1  }
0x2c: {  	[sflag:s29] =	ssyncadd.s32 $0xFFFFFFFF  }
0x2d: {  	_ =	strace $0x90000048  }
0x2e: {  	_ =	sfence  }
0x2f: {  	s30 =	sld [smem:$0x0];
	_ =	sdelay $0x2  }
0x30: {  	s31 =	sshll.u32 s1, $0xD;
	s1 =	sshrl.u32 s1, $0x2  }
0x31: {  	s3 =	sand.u32 $0x4000, s31;
	s1 =	sadd.s32 s1, s30  }
0x32: {  	s0 =	sor.u32 s3, s0;
	s1 =	sshll.u32 s1, $0x11  }
0x33: {  	s0 =	sor.u32 s1, s0  }
0x34: {  	s0 =	sadd.s32 $0x8F2B, s0  }
0x35: {  	[sflag:s0] =	ssyncadd.remote.s32 $0x1  }
0x36: {  	_ =	sfence.sel $0xFFFF  }
0x37: {  	[dreg:$0x0] =	wrdreg $0xFFFFFFFF;
	(pc) =	sbr.abs _section_cstart, $3  }
0x38: {  	[dreg:$0x1] =	wrdreg $0xFFFFFFFF  }
0x39: {  	_ =	task.clear_ibuf [dreg:s7], $0x2FFFF;
	_ =	strace $0x9FFFFFFF  }
0x3a: {  	(tm) =	ssettm $0x7FFFFFFF  }
0x3b: {  	_ =	shalt  }
tec
execute0_lowered:
.L_overlay_start_1:
0x0: {  	(tag) =	ssettag $0x1  }
0x1: {  	s1 =	rddreg [dreg:$0x0];
	s0 =	srdreg.scid  }
0x2: {  	s3 =	rddreg [dreg:$0x1];
	s4 =	simm.s32 $0x1;
	s7 =	simm.s32 $0x2  }
0x3: {  	s15 =	simm.s32 $0x0;
	p0 =	por $0x0, $0x0;
	s13 =	simm.s32 $0x0  }
0x4: {  	s14 =	simm.s32 $0x0;
	s10 =	simm.s32 $0x0;
	s2 =	sshll.u32 s0, $0x8  }
0x5: {  	s11 =	stileid.u32;
	s12 =	simm.s32 $0x0;
	s2 =	sand.u32 $0x100, s2  }
.Ltmp0:
0x6: {  	s0 =	rddreg [dreg:$0x2];
	s6 =	ssub.s32 $0x4000, s2;
	(pc) =	sbr.rel .LBB1_1-.Ltmp0, $4  }
0x7: {  	_ =	strace $0x80000047;
	s5 =	sadd.s32 $0x1200, s3;
	s31 =	sshrl.u32 s6, $0x8  }
0x8: {  	[sflag:s4] =	ssyncpa.u1 $0x0;
	s6 =	sshrl.u32 s6, $0x9;
	s8 =	sand.u32 $0x1, s31  }
0x9: {  	s3 =	stileid.u32;
	[sflag:s7] =	ssyncpa.u1 $0x0;
	s6 =	sadd.s32 s6, s8  }
0xa: {  	s9 =	smov.u32 s2;
	s8 =	simm.s32 $0x80;
	s7 =	sadd.s32 $0x1, s6  }
.LBB1_4:
0xb: {  	_ = 	snop  }
0xc: {  	[tilespmem:s20+$0x1860 ss:$0x41] =	vst.msk $0xffff, v8  }
0xd: {  	[tilespmem:s20+$0x1C70 ss:$0x41] =	vst.msk $0xffff, v7  }
0xe: {  	[tilespmem:s20+$0x2490 ss:$0x41] =	vst.msk $0xffff, v1  }
0xf: {  	s23 =	sor.u32 s26, s25;
	v47 =	vld.idx.msk [tilespmem:v0+s18+$0x470 ss:$0x1], $0xffff;
	[tilespmem:s20+$0x28A0 ss:$0x41] =	vst.msk $0xffff, v2  }
0x10: {  	[tilespmem:s20+$0x2CB0 ss:$0x41] =	vst.msk $0xffff, v3;
	v57 =	vld.idx.msk [tilespmem:v0+s23+$0x410 ss:$0x1], $0xffff  }
0x11: {  	[tilespmem:s20+$0x30C0 ss:$0x41] =	vst.msk $0xffff, v4;
	v58 =	vld.idx.msk [tilespmem:v0+s23+$0x420 ss:$0x1], $0xffff  }
0x12: {  	[tilespmem:s20+$0x34D0 ss:$0x41] =	vst.msk $0xffff, v5;
	v59 =	vld.idx.msk [tilespmem:v0+s23+$0x430 ss:$0x1], $0xffff  }
0x13: {  	s27 =	sshra.s32 s21, $0x2;
	[tilespmem:s20+$0x38E0 ss:$0x41] =	vst.msk $0xffff, v6;
	v60 =	vld.idx.msk [tilespmem:v0+s23+$0x440 ss:$0x1], $0xffff  }
0x14: {  	s24 =	sand.u32 $0x3B00, s23;
	s18 =	sadd.s32 s27, s19;
	v61 =	vld.idx.msk [tilespmem:v0+s23+$0x450 ss:$0x1], $0xffff;
	[tilespmem:s20+$0x3CF0 ss:$0x41] =	vst.msk $0xffff, v47  }
0x15: {  	s22 =	sand.u32 $0x80, s22;
	v62 =	vld.idx.msk [tilespmem:v0+s23+$0x460 ss:$0x1], $0xffff;
	s17 =	sadd.s32 s24, s17;
	[tilespmem:s18+$0x2490 ss:$0x41] =	vst.msk $0xffff, v57  }
0x16: {  	v63 =	vld.idx.msk [tilespmem:v0+s23+$0x470 ss:$0x1], $0xffff;
	s17 =	sadd.s32 s22, s17;
	[tilespmem:s18+$0x28A0 ss:$0x41] =	vst.msk $0xffff, v58  }
0x17: {  	v48 =	vld [tilespmem:s17+$0x400];
	[tilespmem:s18+$0x2CB0 ss:$0x41] =	vst.msk $0xffff, v59  }
0x18: {  	v49 =	vld [tilespmem:s17+$0x0];
	[tilespmem:s18+$0x30C0 ss:$0x41] =	vst.msk $0xffff, v60  }
0x19: {  	v50 =	vld [tilespmem:s17+$0x10];
	[tilespmem:s18+$0x34D0 ss:$0x41] =	vst.msk $0xffff, v61  }
0x1a: {  	v51 =	vld [tilespmem:s17+$0x20];
	[tilespmem:s18+$0x38E0 ss:$0x41] =	vst.msk $0xffff, v62  }
0x1b: {  	v52 =	vld [tilespmem:s17+$0x30];
	[tilespmem:s18+$0x3CF0 ss:$0x41] =	vst.msk $0xffff, v63  }
0x1c: {  	v53 =	vld [tilespmem:s17+$0x40];
	[tilespmem:s18+$0x2080 ss:$0x41] =	vst.msk $0xffff, v48  }
0x1d: {  	v54 =	vld [tilespmem:s17+$0x50];
	[tilespmem:s18+$0x0 ss:$0x41] =	vst.msk $0xffff, v49  }
0x1e: {  	s15 =	sshll.u32 s15, $0x7;
	s28 =	sshll.u32 s13, $0x3;
	v55 =	vld [tilespmem:s17+$0x60];
	[tilespmem:s18+$0x410 ss:$0x41] =	vst.msk $0xffff, v50  }
0x1f: {  	s29 =	sand.u32 $0x1FFC00, s15;
	v56 =	vld [tilespmem:s17+$0x70];
	s17 =	sand.u32 $0x1FFC00, s28;
	[tilespmem:s18+$0x820 ss:$0x41] =	vst.msk $0xffff, v51  }
0x20: {  	s14 =	sshll.u32 s14, $0x12;
	s15 =	sand.u32 $0x380, s15;
	s17 =	sadd.s32 s17, s29;
	[tilespmem:s18+$0xC30 ss:$0x41] =	vst.msk $0xffff, v52  }
0x21: {  	s30 =	sshrl.u32 s13, $0x3;
	s31 =	sand.u32 $0x7, s13;
	s15 =	sor.u32 s15, s17;
	[tilespmem:s18+$0x1040 ss:$0x41] =	vst.msk $0xffff, v53  }
0x22: {  	s14 =	sadd.s32 s5, s14;
	s17 =	sand.u32 $0xF, s30;
	s15 =	sshrl.u32 s15, $0x3;
	[tilespmem:s18+$0x1450 ss:$0x41] =	vst.msk $0xffff, v54  }
0x23: {  	s13 =	sshll.u32 s31, $0x12;
	s14 =	sadd.s32 s17, s14;
	s15 =	sand.u32 $0x3FFF0, s15;
	[tilespmem:s18+$0x1860 ss:$0x41] =	vst.msk $0xffff, v55  }
0x24: {  	s13 =	sor.u32 $0x40, s13;
	[tilespmem:s18+$0x1C70 ss:$0x41] =	vst.msk $0xffff, v56;
	s14 =	sadd.s32 s15, s14  }
0x25: {  	[hbm4b:s14+s13] =	stream.strided.scatter [tilespmem:s16], [sflag:$0x2], $0x4000, s8, s13, $0x18;
	[tilespmem:$0x10200] =	vst v63  }
.LBB1_5:
0x26: {  	s16 =	sadd.s32 $0x200, s9  }
0x27: {  	s13 =	sadd.s32 $0x40, s10;
	s17 =	smov.u32 s10;
	p2 =	sgt.s32 s16, $0x3FFF  }
0x28: {  	s17 =	smov.u32 @p2 s13  }
0x29: {  	s19 =	smov.u32 s11;
	s13 =	sadd.s32 $0x10, s11;
	p3 =	sgt.s32 s17, $0x3F  }
0x2a: {  	s19 =	smov.u32 @p3 s13  }
0x2b: {  	s16 =	smov.u32 @p2 s2;
	p2 =	sgt.s32 s19, $0xF  }
0x2c: {  	p1 =	slt.u32 s12, $0x2;
	s19 =	smov.u32 @p2 s3;
	p2 =	sne.s32 s12, s7  }
.Ltmp1:
0x2d: {  	s18 =	simm.s32 @!p1 $0x2;
	(pc) =	sbr.rel @!p2 .LBB1_6-.Ltmp1, $4  }
0x2e: {  	s15 =	smov.u32 s9;
	s14 =	smov.u32 s11;
	_ =	swait.ge @!p1 [sflag:s18], $0x4000  }
0x2f: {  	p0 =	por !p0, !p0;
	[sflag:s18] =	ssyncset.done @!p1 $0x0;
	s9 =	smov.u32 s16  }
0x30: {  	s17 =	simm.s32 @p3 $0x0;
	s13 =	smov.u32 s10;
	[sflag:s18] =	ssyncadd.s32 @!p1 $0xFFFFC000  }
0x31: {  	s10 =	smov.u32 s17;
	s12 =	sadd.s32 $0x1, s12;
	s11 =	smov.u32 s19  }
.LBB1_1:
0x32: {  	p1 =	sge.u32 s12, s6;
	s31 =	sadd.s32 $0xFFFFFFFF, s12  }
0x33: {  	s16 =	sxor.u32 @!p1 $0xFFFFFFFF, s12;
	s17 =	sand.u32 @!p1 $0x78, s9;
	s18 =	sshll.u32 @!p1 s10, $0xE  }
0x34: {  	s19 =	sshll.u32 @!p1 s10, $0x7;
	s20 =	sshll.u32 @!p1 s9, $0x3;
	s16 =	sshll.u32 @!p1 s16, $0xE  }
0x35: {  	s18 =	sand.u32 @!p1 $0xE0000, s18;
	s19 =	sand.u32 @!p1 $0x380, s19;
	s16 =	sand.u32 @!p1 $0x4000, s16  }
0x36: {  	s18 =	sadd.s32 @!p1 s18, s20;
	s20 =	sand.u32 @!p1 $0x3C00, s20;
	s17 =	sor.u32 @!p1 s19, s17  }
0x37: {  	s19 =	sshll.u32 @!p1 s11, $0x11;
	s17 =	sor.u32 @!p1 s20, s17;
	s18 =	sshrl.u32 @!p1 s18, $0x3  }
0x38: {  	s19 =	sadd.s32 @!p1 s1, s19;
	s20 =	sand.u32 @!p1 $0x7, s9;
	s18 =	sand.u32 @!p1 $0x1F800, s18  }
0x39: {  	s17 =	sshrl.u32 @!p1 s17, $0x3;
	s18 =	sadd.s32 @!p1 s18, s19;
	s19 =	sshll.u32 @!p1 s20, $0x12  }
0x3a: {  	s17 =	sadd.s32 @!p1 s17, s18;
	s18 =	sor.u32 @!p1 $0x800, s19;
	s19 =	simm.s32 @!p1 $0x20000  }
0x3b: {  	[tilespmem:s16], [sflag:$0x1] =	stream.strided.gather @!p1 [hbm4b:s17+s18], $0x4000, s19, s18, $0x38;
	[tilespmem:$0x10200] =	vst v63  }
0x3c: {  	p1 =	sge.u32 s31, s6  }
.Ltmp2:
0x3d: {  	_ = 	snop;
	(pc) =	sbr.rel @p1 .LBB1_5-.Ltmp2, $1  }
0x3e: {  	_ =	sdelay $0x3  }
0x3f: {  	s19 =	simm.s32 $0x0  }
0x40: {  	s18 =	sand.u32 $0x3800, s19;
	s20 =	sand.u32 $0x380, s19  }
0x41: {  	s16 =	sand.u32 $0x1, s12;
	s18 =	sor.u32 s20, s18  }
0x42: {  	_ =	swait.ge [sflag:s4], $0x4000;
	s17 =	sshll.u32 s16, $0xE;
	s20 =	sand.u32 $0x3B00, s18  }
0x43: {  	[sflag:s4] =	ssyncset.done $0x0;
	s19 =	sand.u32 $0x80, s19;
	s20 =	sadd.s32 s20, s17  }
0x44: {  	[sflag:s4] =	ssyncadd.s32 $0xFFFFC000;
	s22 =	sadd.s32 s19, s20  }
0x45: {  	v4 =	vld [tilespmem:s22+$0x400]  }
0x46: {  	s21 =	simm.s32 $0x1;
	v5 =	vld [tilespmem:s22+$0x0]  }
0x47: {  	s21 =	simm.s32 @!p0 $0x0;
	v6 =	vld [tilespmem:s22+$0x10]  }
0x48: {  	v0 =	vmov s17;
	s31 =	smul.u32 $0x10400, s21;
	v7 =	vld [tilespmem:s22+$0x20]  }
0x49: {  	v9 =	vld [tilespmem:s22+$0x30]  }
0x4a: {  	s19 =	sshrl.u32 s31, $0x2;
	v10 =	vld [tilespmem:s22+$0x40]  }
0x4b: {  	s19 =	sor.u32 $0x8000, s19;
	v11 =	vld [tilespmem:s22+$0x50]  }
0x4c: {  	v8 =	vld [tilespmem:s22+$0x60];
	s20 =	sadd.s32 $0x0, s19  }
0x4d: {  	v1 =	vld.idx.msk [tilespmem:v0+s18+$0x410 ss:$0x1], $0xffff;
	[tilespmem:s20+$0x2080 ss:$0x41] =	vst.msk $0xffff, v4  }
0x4e: {  	v2 =	vld.idx.msk [tilespmem:v0+s18+$0x420 ss:$0x1], $0xffff;
	[tilespmem:s20+$0x0 ss:$0x41] =	vst.msk $0xffff, v5  }
0x4f: {  	v3 =	vld.idx.msk [tilespmem:v0+s18+$0x430 ss:$0x1], $0xffff;
	[tilespmem:s20+$0x410 ss:$0x41] =	vst.msk $0xffff, v6  }
0x50: {  	s16 =	smul.u32 $0x10400, s16;
	[tilespmem:s20+$0x820 ss:$0x41] =	vst.msk $0xffff, v7;
	v7 =	vld [tilespmem:s22+$0x70]  }
0x51: {  	s23 =	simm.s32 $0x100;
	s24 =	simm.s32 $0x8;
	[tilespmem:s20+$0xC30 ss:$0x41] =	vst.msk $0xffff, v9;
	v4 =	vld.idx.msk [tilespmem:v0+s18+$0x440 ss:$0x1], $0xffff  }
0x52: {  	s25 =	sand.u32 $0x3800, s23;
	s16 =	sshrl.u32 s16, $0x2;
	[tilespmem:s20+$0x1040 ss:$0x41] =	vst.msk $0xffff, v10;
	v5 =	vld.idx.msk [tilespmem:v0+s18+$0x450 ss:$0x1], $0xffff;
	s22 =	simm.s32 $0x80  }
0x53: {  	s21 =	simm.s32 $0x4;
	s16 =	sor.u32 $0x8000, s16;
	[tilespmem:s20+$0x1450 ss:$0x41] =	vst.msk $0xffff, v11;
	v6 =	vld.idx.msk [tilespmem:v0+s18+$0x460 ss:$0x1], $0xffff;
	s26 =	sand.u32 $0x380, s22  }
.LBB1_3:
0x54: {  	p1 =	sne.s32 s24, $0xFC;
	[tilespmem:s20+$0x1860 ss:$0x41] =	vst.msk $0xffff, v8;
	v8 =	vld.idx.msk [tilespmem:v0+s18+$0x470 ss:$0x1], $0xffff;
	s18 =	sor.u32 s26, s25  }
0x55: {  	s25 =	sand.u32 $0x3B00, s18;
	v9 =	vld.idx.msk [tilespmem:v0+s18+$0x410 ss:$0x1], $0xffff;
	[tilespmem:s20+$0x1C70 ss:$0x41] =	vst.msk $0xffff, v7  }
0x56: {  	s26 =	sand.u32 $0x80, s22;
	s25 =	sadd.s32 s25, s17;
	v7 =	vld.idx.msk [tilespmem:v0+s18+$0x420 ss:$0x1], $0xffff;
	[tilespmem:s20+$0x2490 ss:$0x41] =	vst.msk $0xffff, v1  }
0x57: {  	s25 =	sadd.s32 s26, s25;
	v10 =	vld.idx.msk [tilespmem:v0+s18+$0x430 ss:$0x1], $0xffff;
	[tilespmem:s20+$0x28A0 ss:$0x41] =	vst.msk $0xffff, v2  }
0x58: {  	v11 =	vld [tilespmem:s25+$0x400];
	[tilespmem:s20+$0x2CB0 ss:$0x41] =	vst.msk $0xffff, v3  }
0x59: {  	v12 =	vld [tilespmem:s25+$0x0];
	[tilespmem:s20+$0x30C0 ss:$0x41] =	vst.msk $0xffff, v4  }
0x5a: {  	v4 =	vld [tilespmem:s25+$0x10];
	[tilespmem:s20+$0x34D0 ss:$0x41] =	vst.msk $0xffff, v5  }
0x5b: {  	s26 =	sshra.s32 s21, $0x2;
	s21 =	smov.u32 s24;
	v1 =	vmov v9;
	v5 =	vld [tilespmem:s25+$0x20];
	[tilespmem:s20+$0x38E0 ss:$0x41] =	vst.msk $0xffff, v6  }
0x5c: {  	v2 =	vmov v7;
	v6 =	vld [tilespmem:s25+$0x30];
	[tilespmem:s20+$0x3CF0 ss:$0x41] =	vst.msk $0xffff, v8;
	s20 =	sadd.s32 s26, s19  }
0x5d: {  	v3 =	vmov v10;
	v9 =	vld [tilespmem:s25+$0x40];
	[tilespmem:s20+$0x2080 ss:$0x41] =	vst.msk $0xffff, v11  }
0x5e: {  	[tilespmem:s20+$0x0 ss:$0x41] =	vst.msk $0xffff, v12;
	v10 =	vld [tilespmem:s25+$0x50]  }
.Ltmp3:
0x5f: {  	[tilespmem:s20+$0x410 ss:$0x41] =	vst.msk $0xffff, v4;
	v8 =	vld [tilespmem:s25+$0x60];
	(pc) =	sbr.rel @p1 .LBB1_3-.Ltmp3, $4  }
0x60: {  	[tilespmem:s20+$0x820 ss:$0x41] =	vst.msk $0xffff, v5;
	v7 =	vld [tilespmem:s25+$0x70]  }
0x61: {  	[tilespmem:s20+$0xC30 ss:$0x41] =	vst.msk $0xffff, v6;
	v4 =	vld.idx.msk [tilespmem:v0+s18+$0x440 ss:$0x1], $0xffff  }
0x62: {  	s22 =	sadd.s32 $0x80, s22;
	s23 =	sadd.s32 $0x100, s23;
	[tilespmem:s20+$0x1040 ss:$0x41] =	vst.msk $0xffff, v9;
	v5 =	vld.idx.msk [tilespmem:v0+s18+$0x450 ss:$0x1], $0xffff  }
0x63: {  	s24 =	sadd.s32 $0x4, s24;
	s26 =	sand.u32 $0x380, s22;
	s25 =	sand.u32 $0x3800, s23;
	[tilespmem:s20+$0x1450 ss:$0x41] =	vst.msk $0xffff, v10;
	v6 =	vld.idx.msk [tilespmem:v0+s18+$0x460 ss:$0x1], $0xffff  }
.Ltmp4:
0x64: {  	_ = 	snop;
	(pc) =	sbr.rel .LBB1_4-.Ltmp4, $1  }
0x65: {  	_ =	sdelay $0x3  }
.LBB1_6:
0x66: {  	_ =	sfence.sel $0x180000  }
0x67: {  	s1 =	simm.s32 $0x1;
	[bflag:$0x0] =	sbarrier.arrive $0xFFFF  }
0x68: {  	s31 =	simm.s32 $0x2;
	[sflag:s1] =	ssyncpa.u1 $0x1  }
0x69: {  	[sflag:s31] =	ssyncpa.u1 $0x1  }
0x6a: {  	p0 =	sne.s32 s3, $0x0;
	_ =	strace $0x90000047  }
0x6b: {  	s0 =	sadd.s32 @!p0 $0x100000, s0;
	[bflag:$0x2] =	sbarrier.arrive $0xFFFF  }
0x6c: {  	[sflag:s0] =	ssyncadd.tile.s32 @!p0 $0x1;
	_ =	shalt  }
.Lfunc_end1:
_tile_overlayer_lowered:
.L_overlay_start_2:
0x6d: {  	(tag) =	ssettag $0x2  }
0x6e: {  	s0 =	rddreg [dreg:$0x0];
	s2 =	stileid.u32  }
0x6f: {  	s1 =	rddreg [dreg:$0x1];
	p0 =	sne.s32 s2, $0x0  }
0x70: {  	s3 =	rddreg [dreg:$0x2];
	[bflag:$0x3] =	sbarrier.arrive $0xFFFF;
	s2 =	simm.s32 @!p0 $0x1C01  }
0x71: {  	[timem:s3], [sflag:s2] =	dma.local @!p0 [hbm:s0], s1  }
0x72: {  	s0 =	simm.s32 @!p0 $0x1  }
0x73: {  	_ =	swait.ge @!p0 [sflag:s0], s1  }
0x74: {  	s1 =	ssub.s32 @!p0 $0x0, s1;
	[sflag:s0] =	ssyncset.done @!p0 $0x0  }
0x75: {  	[sflag:s0] =	ssyncadd.s32 @!p0 s1  }
0x76: {  	[bflag:$0x3] =	sbarrier.arrive $0xFFFF  }
0x77: {  	_ =	shalt  }

// kernel: sparse-core-data-format-call.cloned.1.call-start
scs
called_computation_lowered:
.L_overlay_start_0:
0x0: {  	s2 =	sld [smem:$0x3FD9]  }
0x1: {  	s3 =	sld [smem:$0x3FFE];
	_ =	sdelay $0x1  }
0x2: {  	s1 =	srdreg.scid  }
0x3: {  	s0 =	sand.u32 $0x1, s1  }
0x4: {  	s18 =	sshll.u32 s0, $0xA;
	s2 =	sadd.s32 s3, s2  }
0x5: {  	s2 =	sadd.s32 s2, s18  }
0x6: {  	[smem:$0x3FC4] =	sst s2  }
0x7: {  	_ = 	snop  }
0x8: {  	s2 =	sld [smem:$0x3FD0];
	(tm) =	ssettm $0x1  }
0x9: {  	s19 =	sld [smem:$0x3FFB];
	_ =	sdelay $0x3  }
0xa: {  	_ =	strace s19  }
0xb: {  	s3 =	sld [smem:$0x3FFC];
	_ =	sdelay $0x3  }
0xc: {  	_ =	strace s3  }
0xd: {  	s3 =	sld [smem:$0x3FFD];
	_ =	sdelay $0x3  }
0xe: {  	_ =	strace s3  }
0xf: {  	_ =	strace $0x8FFFFFFF  }
0x10: {  	s20 =	sld [smem:$0x3FDB];
	_ =	sdelay $0x1  }
0x11: {  	s4 =	simm.s32 $_scs_section_size  }
0x12: {  	s5 =	simm.s32 $_size__tile_overlayer_lowered;
	s6 =	simm.s32 $_tile_overlayer_lowered  }
0x13: {  	s23 =	simm.s32 $0x1BFF;
	s22 =	sshll.u32 s6, $0x1;
	s3 =	sadd.s32 s4, s20  }
0x14: {  	s7 =	simm.s32 $0x0;
	s21 =	sshll.u32 s5, $0x1;
	s5 =	sadd.s32 s22, s3  }
0x15: {  	[timem:s7], [sflag:s23] =	dma.local [hbm:s5], s21  }
0x16: {  	_ =	swait.ge [sflag:s23], s21  }
0x17: {  	s4 =	ssub.s32 $0x0, s21;
	[sflag:s23] =	ssyncset.done $0x0  }
0x18: {  	[sflag:s23] =	ssyncadd.s32 s4;
	_ =	sdelay $0x1  }
0x19: {  	s24 =	simm.s32 $0x1B8B  }
0x1a: {  	_ =	swait.ge [sflag:s24], $0x1  }
0x1b: {  	[sflag:s24] =	ssyncset.done $0x0  }
0x1c: {  	s26 =	simm.s32 $0x1B8E;
	s25 =	sld [smem:$0x3FFE];
	[sflag:s24] =	ssyncadd.s32 $0xFFFFFFFF  }
0x1d: {  	s27 =	simm.s32 $execute0_lowered;
	[smem:$0x3FD2] =	sst s26  }
0x1e: {  	s5 =	sshll.u32 s27, $0x1;
	_ =	strace $0x8000004C;
	[dreg:$0x1] =	wrdreg $0xFFFFFFFF  }
0x1f: {  	s28 =	simm.s32 $_size_execute0_lowered;
	s3 =	sadd.s32 s3, s5;
	[dreg:$0x0] =	wrdreg $0x0  }
0x20: {  	s5 =	sshll.u32 s28, $0x1;
	[dreg:$0x2] =	wrdreg s3  }
0x21: {  	[dreg:$0x3] =	wrdreg s5  }
0x22: {  	[dreg:$0x4] =	wrdreg $0xC0  }
0x23: {  	_ =	task [dreg:s7], $0x5FFFF  }
0x24: {  	[dreg:$0x1] =	wrdreg $0xFFFFFFFF  }
0x25: {  	[dreg:$0x0] =	wrdreg $0x60  }
0x26: {  	[dreg:$0x2] =	wrdreg s25  }
0x27: {  	[dreg:$0x3] =	wrdreg s2  }
0x28: {  	[dreg:$0x4] =	wrdreg $0x9  }
0x29: {  	_ =	task.clear_ibuf [dreg:s7], $0x5FFFF;
	_ =	strace $0x9000004C  }
0x2a: {  	s29 =	simm.s32 $0x9;
	_ =	strace $0x8000004E  }
0x2b: {  	_ =	swait.ge [sflag:s29], $0x1  }
0x2c: {  	[sflag:s29] =	ssyncadd.s32 $0xFFFFFFFF  }
0x2d: {  	_ =	strace $0x9000004E  }
0x2e: {  	_ =	sfence  }
0x2f: {  	s30 =	sld [smem:$0x0];
	_ =	sdelay $0x2  }
0x30: {  	s31 =	sshll.u32 s1, $0xD;
	s1 =	sshrl.u32 s1, $0x2  }
0x31: {  	s3 =	sand.u32 $0x4000, s31;
	s1 =	sadd.s32 s1, s30  }
0x32: {  	s0 =	sor.u32 s3, s0;
	s1 =	sshll.u32 s1, $0x11  }
0x33: {  	s0 =	sor.u32 s1, s0  }
0x34: {  	s0 =	sadd.s32 $0x8F2B, s0  }
0x35: {  	[sflag:s0] =	ssyncadd.remote.s32 $0x1  }
0x36: {  	_ =	sfence.sel $0xFFFF  }
0x37: {  	[dreg:$0x0] =	wrdreg $0xFFFFFFFF;
	(pc) =	sbr.abs _section_cstart, $3  }
0x38: {  	[dreg:$0x1] =	wrdreg $0xFFFFFFFF  }
0x39: {  	_ =	task.clear_ibuf [dreg:s7], $0x2FFFF;
	_ =	strace $0x9FFFFFFF  }
0x3a: {  	(tm) =	ssettm $0x7FFFFFFF  }
0x3b: {  	_ =	shalt  }
tec
execute0_lowered:
.L_overlay_start_1:
0x0: {  	(tag) =	ssettag $0x1  }
0x1: {  	s8 =	rddreg [dreg:$0x0]  }
0x2: {  	s0 =	stileid.u32;
	s1 =	srdreg.scid  }
0x3: {  	s2 =	rddreg [dreg:$0x1];
	s31 =	simm.s32 $0x2;
	s14 =	simm.s32 $0x0  }
0x4: {  	s15 =	simm.s32 $0x0;
	s13 =	simm.s32 $0x0;
	s3 =	sshll.u32 s0, $0x1  }
0x5: {  	s4 =	sshll.u32 s0, $0x4;
	s1 =	sshll.u32 s1, $0x8;
	s3 =	sand.u32 $0xE, s3  }
0x6: {  	s4 =	sor.u32 s4, s1;
	s1 =	rddreg [dreg:$0x2];
	_ =	strace $0x8000004D  }
0x7: {  	s4 =	sand.u32 $0x180, s4;
	s5 =	ssub.s32 $0x10, s3;
	s12 =	smov.u32 s3  }
0x8: {  	s6 =	sand.u32 $0xE, s5;
	s7 =	ssub.s32 $0x4000, s4;
	s10 =	sshrl.u32 s5, $0x4  }
0x9: {  	p0 =	sne.s32 s6, $0x0;
	s6 =	simm.s32 $0x1;
	s9 =	sand.u32 $0x180, s7  }
0xa: {  	s6 =	simm.s32 @!p0 $0x0;
	p0 =	sne.s32 s9, $0x0;
	s9 =	simm.s32 $0x1  }
.Ltmp0:
0xb: {  	s7 =	sshrl.u32 s7, $0x9;
	s9 =	simm.s32 @!p0 $0x0;
	(pc) =	sbr.rel .LBB1_1-.Ltmp0, $4  }
0xc: {  	s5 =	simm.s32 $0x1;
	s6 =	sadd.s32 s6, s10;
	s7 =	sadd.s32 s9, s7  }
0xd: {  	s11 =	smov.u32 s4;
	[sflag:s5] =	ssyncpa.u1 $0x0;
	s6 =	smul.u32 s6, s7  }
0xe: {  	[sflag:s31] =	ssyncpa.u1 $0x0;
	p0 =	por $0x0, $0x0;
	s10 =	simm.s32 $0x20000  }
0xf: {  	s7 =	sadd.s32 $0x201200, s8;
	s8 =	sadd.s32 $0x241200, s8;
	s9 =	sadd.s32 $0x1, s6  }
.LBB1_7:
0x10: {  	s16 =	sadd.s32 $0x200, s11  }
0x11: {  	s14 =	sadd.s32 $0x10, s12;
	s18 =	smov.u32 s12;
	p2 =	sgt.s32 s16, $0x3FFF  }
0x12: {  	s18 =	smov.u32 @p2 s14  }
0x13: {  	s16 =	smov.u32 @p2 s4;
	p2 =	sgt.s32 s18, $0xF  }
0x14: {  	s18 =	smov.u32 @p2 s3;
	p2 =	sne.s32 s13, s9  }
.Ltmp1:
0x15: {  	p1 =	slt.u32 s13, $0x2;
	(pc) =	sbr.rel @!p2 .LBB1_8-.Ltmp1, $4  }
0x16: {  	s17 =	simm.s32 @!p1 $0x2  }
0x17: {  	s15 =	smov.u32 s12;
	p0 =	por !p0, !p0;
	_ =	swait.ge @!p1 [sflag:s17], $0x4000  }
0x18: {  	s14 =	smov.u32 s11;
	[sflag:s17] =	ssyncset.done @!p1 $0x0;
	s11 =	smov.u32 s16  }
0x19: {  	s13 =	sadd.s32 $0x1, s13;
	[sflag:s17] =	ssyncadd.s32 @!p1 $0xFFFFC000;
	s12 =	smov.u32 s18  }
.LBB1_1:
0x1a: {  	p1 =	sge.u32 s13, s6  }
0x1b: {  	s16 =	sxor.u32 @!p1 $0xFFFFFFFF, s13;
	s17 =	sshll.u32 @!p1 s12, $0x12  }
0x1c: {  	s18 =	sshll.u32 @!p1 s11, $0x4;
	s20 =	simm.s32 @!p1 $0x40;
	s21 =	simm.s32 @!p1 $0x80  }
0x1d: {  	s16 =	sshll.u32 @!p1 s16, $0xE;
	s18 =	sand.u32 @!p1 $0x3FFF0, s18;
	s19 =	sadd.s32 @!p1 s7, s17  }
0x1e: {  	s17 =	sadd.s32 @!p1 s17, s8;
	s16 =	sand.u32 @!p1 $0x4000, s16;
	s19 =	sadd.s32 @!p1 s18, s19  }
0x1f: {  	[tilespmem:s16], [sflag:$0x1] =	stream.strided.gather @!p1 [hbm4b:s19+s20], $0x2000, s21, s20, $0x38;
	[tilespmem:$0x10100] =	vst v63  }
0x20: {  	s31 =	sadd.s32 $0xFFFFFFFF, s13;
	s17 =	sadd.s32 @!p1 s18, s17;
	s16 =	sor.u32 @!p1 $0x2000, s16  }
0x21: {  	[tilespmem:s16], [sflag:$0x1] =	stream.strided.gather @!p1 [hbm4b:s17+s20], $0x2000, s21, s20, $0x38;
	[tilespmem:$0x10100] =	vst v63  }
0x22: {  	p1 =	sge.u32 s31, s6  }
.Ltmp2:
0x23: {  	_ = 	snop;
	(pc) =	sbr.rel @p1 .LBB1_7-.Ltmp2, $1  }
0x24: {  	_ =	sdelay $0x3  }
0x25: {  	s16 =	simm.s32 $0x1;
	s18 =	sand.u32 $0x1, s13  }
0x26: {  	_ =	swait.ge [sflag:s5], $0x4000;
	s16 =	simm.s32 @!p0 $0x0;
	s18 =	smul.u32 $0x10200, s18  }
0x27: {  	p2 =	por $0x1, $0x1;
	[sflag:s5] =	ssyncset.done $0x0;
	s17 =	smul.u32 $0x10200, s16  }
0x28: {  	s19 =	sshll.u32 s16, $0x10;
	[sflag:s5] =	ssyncadd.s32 $0xFFFFC000;
	s30 =	sshrl.u32 s18, $0x2  }
0x29: {  	s31 =	sshrl.u32 s19, $0x2;
	s19 =	simm.s32 $0x0;
	s17 =	sshrl.u32 s17, $0x2  }
0x2a: {  	s16 =	sor.u32 $0x8000, s30;
	s18 =	sadd.s32 $0x20, s31;
	s17 =	sor.u32 $0x8000, s17  }
.LBB1_3:
0x2b: {  	s20 =	sshll.u32 s19, $0xD  }
0x2c: {  	s20 =	sand.u32 $0x3FFFE000, s20  }
0x2d: {  	s22 =	sadd.s32 s20, s18  }
0x2e: {  	s31 =	smul.u32 $0x8100, s19;
	v3 =	vld [tilespmem:s22+$0x10]  }
0x2f: {  	v1 =	vld [tilespmem:s22+$0xFFFFFFF0]  }
0x30: {  	s19 =	sshra.s32 s31, $0x2;
	v0 =	vld [tilespmem:s22+$0x0]  }
0x31: {  	s19 =	sadd.s32 s19, s17;
	v2 =	vld [tilespmem:s22+$0xFFFFFFE0]  }
0x32: {  	s20 =	sadd.s32 $0x0, s19  }
0x33: {  	p1 =	por p2, p2;
	s21 =	simm.s32 $0x4;
	s22 =	sadd.s32 $0x40, s22;
	[tilespmem:s20+$0x1830 ss:$0x81] =	vst.msk $0xffff, v3  }
.LBB1_4:
0x34: {  	v3 =	vld [tilespmem:s22+$0x10];
	p2 =	sne.s32 s21, $0x1FC;
	[tilespmem:s20+$0x810 ss:$0x81] =	vst.msk $0xffff, v1;
	s23 =	smov.u32 s21;
	s21 =	sadd.s32 $0x4, s21  }
.Ltmp3:
0x35: {  	v1 =	vld [tilespmem:s22+$0xFFFFFFF0];
	[tilespmem:s20+$0x1020 ss:$0x81] =	vst.msk $0xffff, v0;
	(pc) =	sbr.rel @p2 .LBB1_4-.Ltmp3, $4  }
0x36: {  	v0 =	vld [tilespmem:s22+$0x0];
	[tilespmem:s20+$0x0 ss:$0x81] =	vst.msk $0xffff, v2  }
0x37: {  	s20 =	sshra.s32 s23, $0x2;
	v2 =	vld [tilespmem:s22+$0xFFFFFFE0]  }
0x38: {  	s20 =	sadd.s32 s20, s19  }
0x39: {  	s22 =	sadd.s32 $0x40, s22;
	[tilespmem:s20+$0x1830 ss:$0x81] =	vst.msk $0xffff, v3  }
.Ltmp4:
0x3a: {  	(pc) =	sbr.rel @p1 .LBB1_3-.Ltmp4, $4  }
0x3b: {  	_ = 	snop  }
0x3c: {  	[tilespmem:s20+$0x810 ss:$0x81] =	vst.msk $0xffff, v1  }
0x3d: {  	[tilespmem:s20+$0x1020 ss:$0x81] =	vst.msk $0xffff, v0  }
0x3e: {  	s19 =	simm.s32 $0x1;
	p2 =	por $0x0, $0x0;
	[tilespmem:s20+$0x0 ss:$0x81] =	vst.msk $0xffff, v2  }
0x3f: {  	s17 =	sshll.u32 s14, $0x3;
	s18 =	sand.u32 $0x78, s14;
	s15 =	sshll.u32 s15, $0x11  }
.Ltmp5:
0x40: {  	s30 =	sand.u32 $0x1F800, s14;
	s17 =	sand.u32 $0x3C00, s17;
	(pc) =	sbr.rel .LBB1_7-.Ltmp5, $4  }
0x41: {  	s31 =	sand.u32 $0x7, s14;
	s15 =	sadd.s32 s2, s15;
	s17 =	sor.u32 s18, s17  }
0x42: {  	s14 =	sshll.u32 s31, $0x12;
	s15 =	sadd.s32 s30, s15;
	s17 =	sshrl.u32 s17, $0x3  }
0x43: {  	s14 =	sor.u32 $0x400, s14;
	s15 =	sadd.s32 s17, s15  }
0x44: {  	[hbm4b:s15+s14] =	stream.strided.scatter [tilespmem:s16], [sflag:$0x2], $0x4000, s10, s14, $0x20;
	[tilespmem:$0x10100] =	vst v63  }
.LBB1_8:
0x45: {  	_ =	sfence.sel $0x180000  }
0x46: {  	s2 =	simm.s32 $0x1;
	[bflag:$0x0] =	sbarrier.arrive $0xFFFF  }
0x47: {  	s31 =	simm.s32 $0x2;
	[sflag:s2] =	ssyncpa.u1 $0x1  }
0x48: {  	[sflag:s31] =	ssyncpa.u1 $0x1  }
0x49: {  	p0 =	sne.s32 s0, $0x0;
	_ =	strace $0x9000004D  }
0x4a: {  	s0 =	sadd.s32 @!p0 $0x100000, s1;
	[bflag:$0x2] =	sbarrier.arrive $0xFFFF  }
0x4b: {  	[sflag:s0] =	ssyncadd.tile.s32 @!p0 $0x1;
	_ =	shalt  }
.Lfunc_end1:
_tile_overlayer_lowered:
.L_overlay_start_2:
0x4c: {  	(tag) =	ssettag $0x2  }
0x4d: {  	s0 =	rddreg [dreg:$0x0];
	s2 =	stileid.u32  }
0x4e: {  	s1 =	rddreg [dreg:$0x1];
	p0 =	sne.s32 s2, $0x0  }
0x4f: {  	s3 =	rddreg [dreg:$0x2];
	[bflag:$0x3] =	sbarrier.arrive $0xFFFF;
	s2 =	simm.s32 @!p0 $0x1C01  }
0x50: {  	[timem:s3], [sflag:s2] =	dma.local @!p0 [hbm:s0], s1  }
0x51: {  	s0 =	simm.s32 @!p0 $0x1  }
0x52: {  	_ =	swait.ge @!p0 [sflag:s0], s1  }
0x53: {  	s1 =	ssub.s32 @!p0 $0x0, s1;
	[sflag:s0] =	ssyncset.done @!p0 $0x0  }
0x54: {  	[sflag:s0] =	ssyncadd.s32 @!p0 s1  }
0x55: {  	[bflag:$0x3] =	sbarrier.arrive $0xFFFF  }
0x56: {  	_ =	shalt  }

</sc_bundles>
